<compile_context>
chip_gen: v7x
topology: tpu7x:2x2x1
jax: 0.10.2.dev20260603
libtpu: 0.0.44.dev20260713+nightly
codegen_flags: <defaults>
</compile_context>

<pallas_src>
import functools

import jax
import jax.numpy as jnp
from jax import lax
from jax.experimental import pallas as pl
from jax.experimental.pallas import tpu as pltpu
from jax.experimental.pallas import tpu_sc as plsc

Q = 1024
K = 100000
D = 64
TOPK = 10
TOPG = 16

QB = 256
KB = 4096
NKB = (K + KB - 1) // KB
KPAD = NKB * KB
GROUP = 16
GPB = KB // GROUP
NG = NKB * GPB
NCAND = TOPG * GROUP
QCB = 64
NEG = float("-inf")
BIGI = 1 << 30


def _ab_body(q_ref, k_ref, aux_ref, outT_ref, ct_ref):
    kb = pl.program_id(1)
    simsT = lax.dot_general(k_ref[...], q_ref[...],
                            (((1,), (1,)), ((), ())),
                            preferred_element_type=jnp.float32)
    aux = aux_ref[...]
    bias = jnp.where(aux == 0.0, -1e38, 0.0)
    x = simsT * aux + bias
    x3 = x.reshape(GPB, GROUP, QB)
    w = GROUP
    while w > 1:
        w //= 2
        x3 = jnp.maximum(x3[:, :w, :], x3[:, w:2 * w, :])
    ct_ref[pl.ds(kb * GPB, GPB), :] = x3.reshape(GPB, QB)

    @pl.when(kb == NKB - 1)
    def _():
        cur = ct_ref[...]
        gidio = lax.broadcasted_iota(jnp.int32, (NG, QB), 0)
        sels = []
        for _t in range(TOPG):
            m = jnp.max(cur, axis=0, keepdims=True)
            sel = jnp.min(jnp.where(cur == m, gidio, BIGI),
                          axis=0, keepdims=True)
            sels.append(sel)
            cur = jnp.where(gidio == sel, NEG, cur)
        outT_ref[...] = jnp.concatenate(sels, axis=0)


_stage_ab = pl.pallas_call(
    _ab_body,
    grid=(Q // QB, NKB),
    in_specs=[
        pl.BlockSpec((QB, D), lambda qb, kb: (qb, 0)),
        pl.BlockSpec((KB, D), lambda qb, kb: (kb, 0)),
        pl.BlockSpec((KB, 1), lambda qb, kb: (kb, 0)),
    ],
    out_specs=pl.BlockSpec((TOPG, QB), lambda qb, kb: (0, qb)),
    out_shape=jax.ShapeDtypeStruct((TOPG, Q), jnp.int32),
    scratch_shapes=[pltpu.VMEM((NG, QB), jnp.float32)],
    compiler_params=pltpu.CompilerParams(
        dimension_semantics=("arbitrary", "arbitrary")),
)


def _c_body(q_ref, gk_ref, kn_ref, ci_ref, qn_ref, vals_ref, idx_ref):
    q = q_ref[...]
    keys3 = gk_ref[...].reshape(QCB * NCAND, D).astype(jnp.bfloat16)
    s2 = lax.dot_general(q, keys3, (((1,), (1,)), ((), ())),
                         preferred_element_type=jnp.float32)
    x = s2.reshape(QCB, QCB, NCAND)
    bi = lax.broadcasted_iota(jnp.int32, (QCB, QCB, NCAND), 0)
    qi = lax.broadcasted_iota(jnp.int32, (QCB, QCB, NCAND), 1)
    x = jnp.where(bi == qi, x, NEG)
    w = QCB
    while w > 1:
        w //= 2
        x = jnp.maximum(x[:, :w, :], x[:, w:2 * w, :])
    dots = x.reshape(QCB, NCAND)
    kn = kn_ref[...]
    qn = qn_ref[...]
    denom = qn * kn + 1e-6
    v = dots * (1.0 / denom)
    ci = ci_ref[...]
    for t in range(TOPK):
        m = jnp.max(v, axis=1, keepdims=True)
        sel = jnp.min(jnp.where(v == m, ci, BIGI), axis=1, keepdims=True)
        v = jnp.where(ci == sel, NEG, v)
        vals_ref[:, t:t + 1] = jnp.where(m != 0.0, m, 0.0)
        idx_ref[:, t:t + 1] = sel


_stage_c = pl.pallas_call(
    _c_body,
    grid=(Q // QCB,),
    in_specs=[
        pl.BlockSpec((QCB, D), lambda i: (i, 0)),
        pl.BlockSpec((QCB, NCAND, D), lambda i: (i, 0, 0)),
        pl.BlockSpec((QCB, NCAND), lambda i: (i, 0)),
        pl.BlockSpec((QCB, NCAND), lambda i: (i, 0)),
        pl.BlockSpec((QCB, 1), lambda i: (i, 0)),
    ],
    out_specs=[
        pl.BlockSpec((QCB, TOPK), lambda i: (i, 0)),
        pl.BlockSpec((QCB, TOPK), lambda i: (i, 0)),
    ],
    out_shape=[
        jax.ShapeDtypeStruct((Q, TOPK), jnp.float32),
        jax.ShapeDtypeStruct((Q, TOPK), jnp.int32),
    ],
)


_NC, _NS = 2, 16
_NW = _NC * _NS
_B = Q * TOPG
_BPW = _B // _NW
_CH = 64
_NCH = _BPW // _CH


def _sc_gather_body(kt_hbm, knt_hbm, idx_hbm, outk_hbm, outn_hbm,
                    idx_v, kb_v, kn_v, sem_k, sem_n):
    wid = lax.axis_index("s") * _NC + lax.axis_index("c")

    def body(c, _):
        base = wid * _BPW + c * _CH
        pltpu.sync_copy(idx_hbm.at[pl.ds(base, _CH)], idx_v)
        ck = pltpu.async_copy(kt_hbm.at[idx_v], kb_v, sem_k)
        cn = pltpu.async_copy(knt_hbm.at[idx_v], kn_v, sem_n)
        ck.wait()
        cn.wait()
        pltpu.sync_copy(kb_v, outk_hbm.at[pl.ds(base, _CH)])
        pltpu.sync_copy(kn_v, outn_hbm.at[pl.ds(base, _CH)])
        return 0

    lax.fori_loop(0, _NCH, body, 0)


@functools.cache
def _sc_gather():
    return functools.partial(
        pl.kernel,
        mesh=plsc.VectorSubcoreMesh(core_axis_name="c", subcore_axis_name="s"),
        out_type=[
            jax.ShapeDtypeStruct((_B, GROUP * D), jnp.float32),
            jax.ShapeDtypeStruct((_B, 128), jnp.float32),
        ],
        scratch_types=[
            pltpu.VMEM((_CH,), jnp.int32),
            pltpu.VMEM((_CH, GROUP * D), jnp.float32),
            pltpu.VMEM((_CH, 128), jnp.float32),
            pltpu.SemaphoreType.DMA,
            pltpu.SemaphoreType.DMA,
        ],
    )(_sc_gather_body)


def kernel(queries, keys, k):
    kn = jnp.sqrt(jnp.sum(keys * keys, axis=1))
    qn = jnp.sqrt(jnp.sum(queries * queries, axis=1))
    aux_col = jnp.pad(1.0 / (kn + 1e-7), (0, KPAD - K)).reshape(KPAD, 1)

    q16 = queries.astype(jnp.bfloat16)
    k16 = keys.astype(jnp.bfloat16)
    k16p = jnp.pad(k16, ((0, KPAD - K), (0, 0)))

    gidT = _stage_ab(q16, k16p, aux_col)
    gid = gidT.T

    kt = keys.reshape(K // GROUP, GROUP * D)
    knt = jnp.pad(kn.reshape(K // GROUP, GROUP), ((0, 0), (0, 128 - GROUP)))
    gkb, gkn = _sc_gather()(kt, knt, gid.reshape(-1))
    gk = gkb.reshape(Q, NCAND, D)
    kn_g = gkn[:, :GROUP].reshape(Q, NCAND)
    cidx = (gid[:, :, None] * GROUP
            + jnp.arange(GROUP, dtype=jnp.int32)).reshape(Q, NCAND)

    vals, idx = _stage_c(q16, gk, kn_g, cidx, qn.reshape(Q, 1))
    vals = jnp.where(jnp.arange(TOPK)[None, :] < k, vals, 0.0)
    return vals, idx

# --- scband reference (transcript-rebuilt; emitter-appended) ---
"""Pipeline reference for scband-phgd-56753697849900 (READ-ONLY COPY).

The authoritative reference and input builder live on the scoring server;
editing this copy changes nothing except your own understanding.
"""

import jax, jax.numpy as jnp
import numpy as np

SHRINK = 0.0
NORMALIZE = True

def setup_inputs(seed: int = 0) -> dict:
    key = jax.random.key(seed)
    k1, k2 = jax.random.split(key)
    queries = jax.random.normal(k1, (1024, 64), dtype=jnp.float32)
    keys = jax.random.normal(k2, (100000, 64), dtype=jnp.float32)
    return {"queries": queries, "keys": keys, "k": 10}

def reference(queries, keys, k):
    # Faithful translation of ComputeSimilarity.compute_similarity block loop:
    # this_block_weights = dataMatrix.dot(data.T)  -> dense dot product of a
    # query slab against all rows, cosine-normalized with shrink, then top-k.
    sims = jnp.matmul(queries, keys.T)  # [Q, K]
    if NORMALIZE:
        q_norm = jnp.sqrt(jnp.sum(queries * queries, axis=1))  # [Q]
        k_norm = jnp.sqrt(jnp.sum(keys * keys, axis=1))        # [K]
        denominator = q_norm[:, None] * k_norm[None, :] + SHRINK + 1e-06
        sims = sims * (1.0 / denominator)
    elif SHRINK != 0:
        sims = sims / SHRINK
    # top-k neighbors per query (argpartition + argsort in the original == exact top-k)
    TOPK = 10  # static width; setup_inputs always passes k=10
    topk_vals, topk_idx = jax.lax.top_k(sims, TOPK)
    valid = jnp.arange(TOPK) < k  # consume traced k; all-true when k == TOPK
    # zero out non-positive matches like the notZerosMask filtering (keep dense shape)
    mask = (topk_vals != 0.0) & valid[None, :]
    topk_vals = jnp.where(mask, topk_vals, 0.0)
    return topk_vals, topk_idx

if __name__ == "__main__":
    import jax
    _d = setup_inputs()
    print(jax.jit(kernel)(*tuple(_d.values())))

</pallas_src>

<mosaic_0001>
#map = affine_map<(d0, d1) -> (0, 0)>
#map1 = affine_map<(d0, d1) -> (0)>
module attributes {stable_mosaic.version = 14 : i64} {
  func.func @_sc_gather_body(%arg0: i32, %arg1: i32, %arg2: memref<6250x1024xf32, #tpu.memory_space<hbm>>, %arg3: memref<6250x128xf32, #tpu.memory_space<hbm>>, %arg4: memref<16384xi32, #tpu.memory_space<hbm>>, %arg5: memref<16384x1024xf32, #tpu.memory_space<hbm>>, %arg6: memref<16384x128xf32, #tpu.memory_space<hbm>>, %arg7: memref<64xi32, #tpu.memory_space<vmem>>, %arg8: memref<64x1024xf32, #tpu.memory_space<vmem>>, %arg9: memref<64x128xf32, #tpu.memory_space<vmem>>, %arg10: memref<!tpu.dma_semaphore, #tpu.memory_space<semaphore_mem>>, %arg11: memref<!tpu.dma_semaphore, #tpu.memory_space<semaphore_mem>>) attributes {dimension_semantics = [#tpu.dimension_semantics<core_parallel>, #tpu.dimension_semantics<subcore_parallel>], iteration_bounds = array<i64: 2, 16>, scalar_prefetch = 0 : i64, scratch_operands = 5 : i64, tpu.core_type = #tpu.core_type<sc_vector_subcore>, window_params = [{transform_indices = #map}, {transform_indices = #map}, {transform_indices = #map1}, {transform_indices = #map}, {transform_indices = #map}]} {
    %mul3A = arith.constant 2 : i32
    %mul3A_0 = arith.muli %arg1, %mul3A : i32
    %add3A = arith.addi %mul3A_0, %arg0 : i32
    %scan3A = arith.constant 0 : i32
    %scan3A_1 = arith.constant 0 : i32
    %scan3A_2 = arith.constant 8 : i32
    %scan3A_3 = arith.addi %scan3A_1, %scan3A_2 : i32
    %scan3A_4 = arith.constant 1 : i32
    %scan3A_5 = scf.for %scan3A_7 = %scan3A_1 to %scan3A_3 step %scan3A_4 iter_args(%scan3A_8 = %scan3A) -> (i32)  : i32 {
      %mul3A_9 = arith.constant 512 : i32
      %mul3A_10 = arith.muli %add3A, %mul3A_9 : i32
      %mul3A_11 = arith.constant 64 : i32
      %mul3A_12 = arith.muli %scan3A_7, %mul3A_11 : i32
      %add3A_13 = arith.addi %mul3A_10, %mul3A_12 : i32
      "tpu.region"() ({
        %run_scoped3A = tpu.sem_alloc : memref<!tpu.dma_semaphore, #tpu.memory_space<semaphore_mem>>
        %dma_start3A_25 = tpu.memref_slice %arg4[%add3A_13] : memref<16384xi32, #tpu.memory_space<hbm>> -> memref<64xi32, #tpu.memory_space<hbm>>
        %dma_start3A_26 = tpu.memref_slice %arg4[%add3A_13] : memref<16384xi32, #tpu.memory_space<hbm>> -> memref<64xi32, #tpu.memory_space<hbm>>
        tpu.enqueue_dma source(%dma_start3A_26 : memref<64xi32, #tpu.memory_space<hbm>>) target(%arg7 : memref<64xi32, #tpu.memory_space<vmem>>) target_semaphore(%run_scoped3A : memref<!tpu.dma_semaphore, #tpu.memory_space<semaphore_mem>>)
        %dma_wait3A_27 = tpu.memref_slice %arg4[%add3A_13] : memref<16384xi32, #tpu.memory_space<hbm>> -> memref<64xi32, #tpu.memory_space<hbm>>
        %dma_wait3A_28 = tpu.memref_slice %arg4[%add3A_13] : memref<16384xi32, #tpu.memory_space<hbm>> -> memref<64xi32, #tpu.memory_space<hbm>>
        tpu.wait_dma2 semaphore(%run_scoped3A : memref<!tpu.dma_semaphore, #tpu.memory_space<semaphore_mem>>) src(%dma_wait3A_28 : memref<64xi32, #tpu.memory_space<hbm>>) dst(%arg7 : memref<64xi32, #tpu.memory_space<vmem>>)
        tpu.yield
      }) : () -> ()
      %dma_start3A = arith.constant 0 : i32
      %dma_start3A_14 = arith.constant 0 : i32
      %dma_start3A_15 = tpu.memref_slice %arg2[%dma_start3A, %dma_start3A_14] : memref<6250x1024xf32, #tpu.memory_space<hbm>> -> memref<6250x1024xf32, #tpu.memory_space<hbm>>
      tpu.enqueue_indirect_dma source(%dma_start3A_15 : memref<6250x1024xf32, #tpu.memory_space<hbm>>) target(%arg8 : memref<64x1024xf32, #tpu.memory_space<vmem>>) offsets(%arg7 : memref<64xi32, #tpu.memory_space<vmem>>) semaphore(%arg10 : memref<!tpu.dma_semaphore, #tpu.memory_space<semaphore_mem>>)
      %dma_start3A_16 = arith.constant 0 : i32
      %dma_start3A_17 = arith.constant 0 : i32
      %dma_start3A_18 = tpu.memref_slice %arg3[%dma_start3A_16, %dma_start3A_17] : memref<6250x128xf32, #tpu.memory_space<hbm>> -> memref<6250x128xf32, #tpu.memory_space<hbm>>
      tpu.enqueue_indirect_dma source(%dma_start3A_18 : memref<6250x128xf32, #tpu.memory_space<hbm>>) target(%arg9 : memref<64x128xf32, #tpu.memory_space<vmem>>) offsets(%arg7 : memref<64xi32, #tpu.memory_space<vmem>>) semaphore(%arg11 : memref<!tpu.dma_semaphore, #tpu.memory_space<semaphore_mem>>)
      %dma_wait3A = arith.constant 0 : i32
      %dma_wait3A_19 = arith.constant 0 : i32
      %dma_wait3A_20 = tpu.memref_slice %arg2[%dma_wait3A, %dma_wait3A_19] : memref<6250x1024xf32, #tpu.memory_space<hbm>> -> memref<6250x1024xf32, #tpu.memory_space<hbm>>
      tpu.wait_indirect_dma semaphore(%arg10 : memref<!tpu.dma_semaphore, #tpu.memory_space<semaphore_mem>>) src(%dma_wait3A_20 : memref<6250x1024xf32, #tpu.memory_space<hbm>>) dst(%arg8 : memref<64x1024xf32, #tpu.memory_space<vmem>>)
      %dma_wait3A_21 = arith.constant 0 : i32
      %dma_wait3A_22 = arith.constant 0 : i32
      %dma_wait3A_23 = tpu.memref_slice %arg3[%dma_wait3A_21, %dma_wait3A_22] : memref<6250x128xf32, #tpu.memory_space<hbm>> -> memref<6250x128xf32, #tpu.memory_space<hbm>>
      tpu.wait_indirect_dma semaphore(%arg11 : memref<!tpu.dma_semaphore, #tpu.memory_space<semaphore_mem>>) src(%dma_wait3A_23 : memref<6250x128xf32, #tpu.memory_space<hbm>>) dst(%arg9 : memref<64x128xf32, #tpu.memory_space<vmem>>)
      "tpu.region"() ({
        %run_scoped3A = tpu.sem_alloc : memref<!tpu.dma_semaphore, #tpu.memory_space<semaphore_mem>>
        %dma_start3A_25 = arith.constant 0 : i32
        %dma_start3A_26 = tpu.memref_slice %arg5[%add3A_13, %dma_start3A_25] : memref<16384x1024xf32, #tpu.memory_space<hbm>> -> memref<64x1024xf32, #tpu.memory_space<hbm>>
        %dma_start3A_27 = arith.constant 0 : i32
        %dma_start3A_28 = tpu.memref_slice %arg5[%add3A_13, %dma_start3A_27] : memref<16384x1024xf32, #tpu.memory_space<hbm>> -> memref<64x1024xf32, #tpu.memory_space<hbm>>
        tpu.enqueue_dma source(%arg8 : memref<64x1024xf32, #tpu.memory_space<vmem>>) target(%dma_start3A_28 : memref<64x1024xf32, #tpu.memory_space<hbm>>) target_semaphore(%run_scoped3A : memref<!tpu.dma_semaphore, #tpu.memory_space<semaphore_mem>>)
        %dma_wait3A_29 = arith.constant 0 : i32
        %dma_wait3A_30 = tpu.memref_slice %arg5[%add3A_13, %dma_wait3A_29] : memref<16384x1024xf32, #tpu.memory_space<hbm>> -> memref<64x1024xf32, #tpu.memory_space<hbm>>
        %dma_wait3A_31 = arith.constant 0 : i32
        %dma_wait3A_32 = tpu.memref_slice %arg5[%add3A_13, %dma_wait3A_31] : memref<16384x1024xf32, #tpu.memory_space<hbm>> -> memref<64x1024xf32, #tpu.memory_space<hbm>>
        tpu.wait_dma2 semaphore(%run_scoped3A : memref<!tpu.dma_semaphore, #tpu.memory_space<semaphore_mem>>) src(%arg8 : memref<64x1024xf32, #tpu.memory_space<vmem>>) dst(%dma_wait3A_32 : memref<64x1024xf32, #tpu.memory_space<hbm>>)
        tpu.yield
      }) : () -> ()
      "tpu.region"() ({
        %run_scoped3A = tpu.sem_alloc : memref<!tpu.dma_semaphore, #tpu.memory_space<semaphore_mem>>
        %dma_start3A_25 = arith.constant 0 : i32
        %dma_start3A_26 = tpu.memref_slice %arg6[%add3A_13, %dma_start3A_25] : memref<16384x128xf32, #tpu.memory_space<hbm>> -> memref<64x128xf32, #tpu.memory_space<hbm>>
        %dma_start3A_27 = arith.constant 0 : i32
        %dma_start3A_28 = tpu.memref_slice %arg6[%add3A_13, %dma_start3A_27] : memref<16384x128xf32, #tpu.memory_space<hbm>> -> memref<64x128xf32, #tpu.memory_space<hbm>>
        tpu.enqueue_dma source(%arg9 : memref<64x128xf32, #tpu.memory_space<vmem>>) target(%dma_start3A_28 : memref<64x128xf32, #tpu.memory_space<hbm>>) target_semaphore(%run_scoped3A : memref<!tpu.dma_semaphore, #tpu.memory_space<semaphore_mem>>)
        %dma_wait3A_29 = arith.constant 0 : i32
        %dma_wait3A_30 = tpu.memref_slice %arg6[%add3A_13, %dma_wait3A_29] : memref<16384x128xf32, #tpu.memory_space<hbm>> -> memref<64x128xf32, #tpu.memory_space<hbm>>
        %dma_wait3A_31 = arith.constant 0 : i32
        %dma_wait3A_32 = tpu.memref_slice %arg6[%add3A_13, %dma_wait3A_31] : memref<16384x128xf32, #tpu.memory_space<hbm>> -> memref<64x128xf32, #tpu.memory_space<hbm>>
        tpu.wait_dma2 semaphore(%run_scoped3A : memref<!tpu.dma_semaphore, #tpu.memory_space<semaphore_mem>>) src(%arg9 : memref<64x128xf32, #tpu.memory_space<vmem>>) dst(%dma_wait3A_32 : memref<64x128xf32, #tpu.memory_space<hbm>>)
        tpu.yield
      }) : () -> ()
      %scan3A_24 = arith.constant 0 : i32
      scf.yield %scan3A_24 : i32
    }
    %scan3A_6 = arith.constant 8 : i32
    return
  }
}

module attributes {stable_mosaic.version = 14 : i64} {
  func.func @_ab_body(%arg0: i32, %arg1: i32, %arg2: memref<256x64xbf16, #tpu.memory_space<vmem>>, %arg3: memref<4096x64xbf16, #tpu.memory_space<vmem>>, %arg4: memref<4096x1xf32, #tpu.memory_space<vmem>>, %arg5: memref<16x256xi32, #tpu.memory_space<vmem>>, %arg6: memref<6400x256xf32, #tpu.memory_space<vmem>>) attributes {dimension_semantics = [#tpu.dimension_semantics<arbitrary>, #tpu.dimension_semantics<arbitrary>], iteration_bounds = array<i64: 4, 25>, scalar_prefetch = 0 : i64, scratch_operands = 1 : i64, tpu.core_type = #tpu.core_type<tc>, window_params = [{transform_indices = @transform_0, window_bounds = array<i64: 256, 64>}, {transform_indices = @transform_1, window_bounds = array<i64: 4096, 64>}, {transform_indices = @transform_2, window_bounds = array<i64: 4096, 1>}, {transform_indices = @transform_3, window_bounds = array<i64: 16, 256>}]} {
    %get3A = arith.constant 0 : index
    %get3A_0 = arith.constant 0 : index
    %get3A_1 = vector.load %arg3[%get3A, %get3A_0] : memref<4096x64xbf16, #tpu.memory_space<vmem>>, vector<4096x64xbf16>
    %get3A_2 = arith.constant 0 : index
    %get3A_3 = arith.constant 0 : index
    %get3A_4 = vector.load %arg2[%get3A_2, %get3A_3] : memref<256x64xbf16, #tpu.memory_space<vmem>>, vector<256x64xbf16>
    %dot_general3A = arith.constant dense<0.000000e+00> : vector<4096x256xf32>
    %dot_general3A_5 = tpu.matmul %get3A_1, %get3A_4, %dot_general3A {dimension_numbers = #tpu.dot_dimension_numbers<[1], [1], [0], [0], [0, 0, 1, 0], [], []>, transpose_lhs_hint = false} : vector<4096x64xbf16>, vector<256x64xbf16>, vector<4096x256xf32> -> vector<4096x256xf32>
    %get3A_6 = arith.constant 0 : index
    %get3A_7 = arith.constant 0 : index
    %get3A_8 = vector.load %arg4[%get3A_6, %get3A_7] : memref<4096x1xf32, #tpu.memory_space<vmem>>, vector<4096x1xf32>
    %eq3A = arith.constant 0.000000e+00 : f32
    %eq3A_9 = vector.broadcast %eq3A : f32 to vector<4096x1xf32>
    %eq3A_10 = arith.cmpf oeq, %get3A_8, %eq3A_9 : vector<4096x1xf32>
    %jit3A = arith.constant -9.99999968E+37 : f32
    %jit3A_11 = arith.constant 0.000000e+00 : f32
    %broadcast_in_dim3A = vector.broadcast %jit3A : f32 to vector<4096x1xf32>
    %broadcast_in_dim3A_12 = vector.broadcast %jit3A_11 : f32 to vector<4096x1xf32>
    %select_n3A = arith.select %eq3A_10, %broadcast_in_dim3A, %broadcast_in_dim3A_12 : vector<4096x1xi1>, vector<4096x1xf32>
    %mul3A = vector.broadcast %get3A_8 : vector<4096x1xf32> to vector<4096x256xf32>
    %mul3A_13 = arith.mulf %dot_general3A_5, %mul3A : vector<4096x256xf32>
    %add3A = vector.broadcast %select_n3A : vector<4096x1xf32> to vector<4096x256xf32>
    %add3A_14 = arith.addf %mul3A_13, %add3A : vector<4096x256xf32>
    %reshape3A = vector.shape_cast %add3A_14 : vector<4096x256xf32> to vector<256x16x256xf32>
    %slice3A = vector.extract_strided_slice %reshape3A {offsets = [0, 0, 0], sizes = [256, 8, 256], strides = [1, 1, 1]} : vector<256x16x256xf32> to vector<256x8x256xf32>
    %slice3A_15 = vector.extract_strided_slice %reshape3A {offsets = [0, 8, 0], sizes = [256, 8, 256], strides = [1, 1, 1]} : vector<256x16x256xf32> to vector<256x8x256xf32>
    %max3A = arith.maximumf %slice3A, %slice3A_15 : vector<256x8x256xf32>
    %slice3A_16 = vector.extract_strided_slice %max3A {offsets = [0, 0, 0], sizes = [256, 4, 256], strides = [1, 1, 1]} : vector<256x8x256xf32> to vector<256x4x256xf32>
    %slice3A_17 = vector.extract_strided_slice %max3A {offsets = [0, 4, 0], sizes = [256, 4, 256], strides = [1, 1, 1]} : vector<256x8x256xf32> to vector<256x4x256xf32>
    %max3A_18 = arith.maximumf %slice3A_16, %slice3A_17 : vector<256x4x256xf32>
    %slice3A_19 = vector.extract_strided_slice %max3A_18 {offsets = [0, 0, 0], sizes = [256, 2, 256], strides = [1, 1, 1]} : vector<256x4x256xf32> to vector<256x2x256xf32>
    %slice3A_20 = vector.extract_strided_slice %max3A_18 {offsets = [0, 2, 0], sizes = [256, 2, 256], strides = [1, 1, 1]} : vector<256x4x256xf32> to vector<256x2x256xf32>
    %max3A_21 = arith.maximumf %slice3A_19, %slice3A_20 : vector<256x2x256xf32>
    %slice3A_22 = vector.extract_strided_slice %max3A_21 {offsets = [0, 0, 0], sizes = [256, 1, 256], strides = [1, 1, 1]} : vector<256x2x256xf32> to vector<256x1x256xf32>
    %slice3A_23 = vector.extract_strided_slice %max3A_21 {offsets = [0, 1, 0], sizes = [256, 1, 256], strides = [1, 1, 1]} : vector<256x2x256xf32> to vector<256x1x256xf32>
    %max3A_24 = arith.maximumf %slice3A_22, %slice3A_23 : vector<256x1x256xf32>
    %reshape3A_25 = vector.shape_cast %max3A_24 : vector<256x1x256xf32> to vector<256x256xf32>
    %mul3A_26 = arith.constant 256 : i32
    %mul3A_27 = arith.muli %arg1, %mul3A_26 : i32
    %swap3A = arith.index_cast %mul3A_27 : i32 to index
    %swap3A_28 = arith.constant 0 : index
    %swap3A_29 = vector.load %arg6[%swap3A, %swap3A_28] : memref<6400x256xf32, #tpu.memory_space<vmem>>, vector<256x256xf32>
    tpu.vector_store %arg6[%swap3A, %swap3A_28], %reshape3A_25 {strides = array<i32>} : memref<6400x256xf32, #tpu.memory_space<vmem>>, vector<256x256xf32>,
    %eq3A_30 = arith.constant 24 : i32
    %eq3A_31 = arith.cmpi eq, %arg1, %eq3A_30 : i32
    %convert_element_type3A = arith.extui %eq3A_31 : i1 to i32
    %cond3A = arith.constant 0 : i32
    %cond3A_32 = arith.cmpi ne, %convert_element_type3A, %cond3A : i32
    scf.if %cond3A_32 {
      %get3A_33 = arith.constant 0 : index
      %get3A_34 = arith.constant 0 : index
      %get3A_35 = vector.load %arg6[%get3A_33, %get3A_34] : memref<6400x256xf32, #tpu.memory_space<vmem>>, vector<6400x256xf32>
      %iota3A = tpu.iota {dimensions = array<i32: 0>} : vector<6400x256xi32>
      %reduce_max3A = arith.constant dense<0xFF800000> : vector<256xf32>
      %reduce_max3A_36 = vector.multi_reduction <maximumf>, %get3A_35, %reduce_max3A [0] : vector<6400x256xf32> to vector<256xf32>
      %broadcast_in_dim3A_37 = vector.shape_cast %reduce_max3A_36 : vector<256xf32> to vector<1x256xf32>
      %eq3A_38 = vector.broadcast %broadcast_in_dim3A_37 : vector<1x256xf32> to vector<6400x256xf32>
      %eq3A_39 = arith.cmpf oeq, %get3A_35, %eq3A_38 : vector<6400x256xf32>
      %jit3A_40 = arith.constant 1073741824 : i32
      %broadcast_in_dim3A_41 = vector.broadcast %jit3A_40 : i32 to vector<6400x256xi32>
      %select_n3A_42 = arith.select %eq3A_39, %iota3A, %broadcast_in_dim3A_41 : vector<6400x256xi1>, vector<6400x256xi32>
      %reduce_min3A = arith.constant dense<2147483647> : vector<256xi32>
      %reduce_min3A_43 = vector.multi_reduction <minsi>, %select_n3A_42, %reduce_min3A [0] : vector<6400x256xi32> to vector<256xi32>
      %broadcast_in_dim3A_44 = vector.shape_cast %reduce_min3A_43 : vector<256xi32> to vector<1x256xi32>
      %eq3A_45 = vector.broadcast %broadcast_in_dim3A_44 : vector<1x256xi32> to vector<6400x256xi32>
      %eq3A_46 = arith.cmpi eq, %iota3A, %eq3A_45 : vector<6400x256xi32>
      %jit3A_47 = arith.constant 0xFF800000 : f32
      %broadcast_in_dim3A_48 = vector.broadcast %jit3A_47 : f32 to vector<6400x256xf32>
      %select_n3A_49 = arith.select %eq3A_46, %broadcast_in_dim3A_48, %get3A_35 : vector<6400x256xi1>, vector<6400x256xf32>
      %reduce_max3A_50 = arith.constant dense<0xFF800000> : vector<256xf32>
      %reduce_max3A_51 = vector.multi_reduction <maximumf>, %select_n3A_49, %reduce_max3A_50 [0] : vector<6400x256xf32> to vector<256xf32>
      %broadcast_in_dim3A_52 = vector.shape_cast %reduce_max3A_51 : vector<256xf32> to vector<1x256xf32>
      %eq3A_53 = vector.broadcast %broadcast_in_dim3A_52 : vector<1x256xf32> to vector<6400x256xf32>
      %eq3A_54 = arith.cmpf oeq, %select_n3A_49, %eq3A_53 : vector<6400x256xf32>
      %jit3A_55 = arith.constant 1073741824 : i32
      %broadcast_in_dim3A_56 = vector.broadcast %jit3A_55 : i32 to vector<6400x256xi32>
      %select_n3A_57 = arith.select %eq3A_54, %iota3A, %broadcast_in_dim3A_56 : vector<6400x256xi1>, vector<6400x256xi32>
      %reduce_min3A_58 = arith.constant dense<2147483647> : vector<256xi32>
      %reduce_min3A_59 = vector.multi_reduction <minsi>, %select_n3A_57, %reduce_min3A_58 [0] : vector<6400x256xi32> to vector<256xi32>
      %broadcast_in_dim3A_60 = vector.shape_cast %reduce_min3A_59 : vector<256xi32> to vector<1x256xi32>
      %eq3A_61 = vector.broadcast %broadcast_in_dim3A_60 : vector<1x256xi32> to vector<6400x256xi32>
      %eq3A_62 = arith.cmpi eq, %iota3A, %eq3A_61 : vector<6400x256xi32>
      %jit3A_63 = arith.constant 0xFF800000 : f32
      %broadcast_in_dim3A_64 = vector.broadcast %jit3A_63 : f32 to vector<6400x256xf32>
      %select_n3A_65 = arith.select %eq3A_62, %broadcast_in_dim3A_64, %select_n3A_49 : vector<6400x256xi1>, vector<6400x256xf32>
      %reduce_max3A_66 = arith.constant dense<0xFF800000> : vector<256xf32>
      %reduce_max3A_67 = vector.multi_reduction <maximumf>, %select_n3A_65, %reduce_max3A_66 [0] : vector<6400x256xf32> to vector<256xf32>
      %broadcast_in_dim3A_68 = vector.shape_cast %reduce_max3A_67 : vector<256xf32> to vector<1x256xf32>
      %eq3A_69 = vector.broadcast %broadcast_in_dim3A_68 : vector<1x256xf32> to vector<6400x256xf32>
      %eq3A_70 = arith.cmpf oeq, %select_n3A_65, %eq3A_69 : vector<6400x256xf32>
      %jit3A_71 = arith.constant 1073741824 : i32
      %broadcast_in_dim3A_72 = vector.broadcast %jit3A_71 : i32 to vector<6400x256xi32>
      %select_n3A_73 = arith.select %eq3A_70, %iota3A, %broadcast_in_dim3A_72 : vector<6400x256xi1>, vector<6400x256xi32>
      %reduce_min3A_74 = arith.constant dense<2147483647> : vector<256xi32>
      %reduce_min3A_75 = vector.multi_reduction <minsi>, %select_n3A_73, %reduce_min3A_74 [0] : vector<6400x256xi32> to vector<256xi32>
      %broadcast_in_dim3A_76 = vector.shape_cast %reduce_min3A_75 : vector<256xi32> to vector<1x256xi32>
      %eq3A_77 = vector.broadcast %broadcast_in_dim3A_76 : vector<1x256xi32> to vector<6400x256xi32>
      %eq3A_78 = arith.cmpi eq, %iota3A, %eq3A_77 : vector<6400x256xi32>
      %jit3A_79 = arith.constant 0xFF800000 : f32
      %broadcast_in_dim3A_80 = vector.broadcast %jit3A_79 : f32 to vector<6400x256xf32>
      %select_n3A_81 = arith.select %eq3A_78, %broadcast_in_dim3A_80, %select_n3A_65 : vector<6400x256xi1>, vector<6400x256xf32>
      %reduce_max3A_82 = arith.constant dense<0xFF800000> : vector<256xf32>
      %reduce_max3A_83 = vector.multi_reduction <maximumf>, %select_n3A_81, %reduce_max3A_82 [0] : vector<6400x256xf32> to vector<256xf32>
      %broadcast_in_dim3A_84 = vector.shape_cast %reduce_max3A_83 : vector<256xf32> to vector<1x256xf32>
      %eq3A_85 = vector.broadcast %broadcast_in_dim3A_84 : vector<1x256xf32> to vector<6400x256xf32>
      %eq3A_86 = arith.cmpf oeq, %select_n3A_81, %eq3A_85 : vector<6400x256xf32>
      %jit3A_87 = arith.constant 1073741824 : i32
      %broadcast_in_dim3A_88 = vector.broadcast %jit3A_87 : i32 to vector<6400x256xi32>
      %select_n3A_89 = arith.select %eq3A_86, %iota3A, %broadcast_in_dim3A_88 : vector<6400x256xi1>, vector<6400x256xi32>
      %reduce_min3A_90 = arith.constant dense<2147483647> : vector<256xi32>
      %reduce_min3A_91 = vector.multi_reduction <minsi>, %select_n3A_89, %reduce_min3A_90 [0] : vector<6400x256xi32> to vector<256xi32>
      %broadcast_in_dim3A_92 = vector.shape_cast %reduce_min3A_91 : vector<256xi32> to vector<1x256xi32>
      %eq3A_93 = vector.broadcast %broadcast_in_dim3A_92 : vector<1x256xi32> to vector<6400x256xi32>
      %eq3A_94 = arith.cmpi eq, %iota3A, %eq3A_93 : vector<6400x256xi32>
      %jit3A_95 = arith.constant 0xFF800000 : f32
      %broadcast_in_dim3A_96 = vector.broadcast %jit3A_95 : f32 to vector<6400x256xf32>
      %select_n3A_97 = arith.select %eq3A_94, %broadcast_in_dim3A_96, %select_n3A_81 : vector<6400x256xi1>, vector<6400x256xf32>
      %reduce_max3A_98 = arith.constant dense<0xFF800000> : vector<256xf32>
      %reduce_max3A_99 = vector.multi_reduction <maximumf>, %select_n3A_97, %reduce_max3A_98 [0] : vector<6400x256xf32> to vector<256xf32>
      %broadcast_in_dim3A_100 = vector.shape_cast %reduce_max3A_99 : vector<256xf32> to vector<1x256xf32>
      %eq3A_101 = vector.broadcast %broadcast_in_dim3A_100 : vector<1x256xf32> to vector<6400x256xf32>
      %eq3A_102 = arith.cmpf oeq, %select_n3A_97, %eq3A_101 : vector<6400x256xf32>
      %jit3A_103 = arith.constant 1073741824 : i32
      %broadcast_in_dim3A_104 = vector.broadcast %jit3A_103 : i32 to vector<6400x256xi32>
      %select_n3A_105 = arith.select %eq3A_102, %iota3A, %broadcast_in_dim3A_104 : vector<6400x256xi1>, vector<6400x256xi32>
      %reduce_min3A_106 = arith.constant dense<2147483647> : vector<256xi32>
      %reduce_min3A_107 = vector.multi_reduction <minsi>, %select_n3A_105, %reduce_min3A_106 [0] : vector<6400x256xi32> to vector<256xi32>
      %broadcast_in_dim3A_108 = vector.shape_cast %reduce_min3A_107 : vector<256xi32> to vector<1x256xi32>
      %eq3A_109 = vector.broadcast %broadcast_in_dim3A_108 : vector<1x256xi32> to vector<6400x256xi32>
      %eq3A_110 = arith.cmpi eq, %iota3A, %eq3A_109 : vector<6400x256xi32>
      %jit3A_111 = arith.constant 0xFF800000 : f32
      %broadcast_in_dim3A_112 = vector.broadcast %jit3A_111 : f32 to vector<6400x256xf32>
      %select_n3A_113 = arith.select %eq3A_110, %broadcast_in_dim3A_112, %select_n3A_97 : vector<6400x256xi1>, vector<6400x256xf32>
      %reduce_max3A_114 = arith.constant dense<0xFF800000> : vector<256xf32>
      %reduce_max3A_115 = vector.multi_reduction <maximumf>, %select_n3A_113, %reduce_max3A_114 [0] : vector<6400x256xf32> to vector<256xf32>
      %broadcast_in_dim3A_116 = vector.shape_cast %reduce_max3A_115 : vector<256xf32> to vector<1x256xf32>
      %eq3A_117 = vector.broadcast %broadcast_in_dim3A_116 : vector<1x256xf32> to vector<6400x256xf32>
      %eq3A_118 = arith.cmpf oeq, %select_n3A_113, %eq3A_117 : vector<6400x256xf32>
      %jit3A_119 = arith.constant 1073741824 : i32
      %broadcast_in_dim3A_120 = vector.broadcast %jit3A_119 : i32 to vector<6400x256xi32>
      %select_n3A_121 = arith.select %eq3A_118, %iota3A, %broadcast_in_dim3A_120 : vector<6400x256xi1>, vector<6400x256xi32>
      %reduce_min3A_122 = arith.constant dense<2147483647> : vector<256xi32>
      %reduce_min3A_123 = vector.multi_reduction <minsi>, %select_n3A_121, %reduce_min3A_122 [0] : vector<6400x256xi32> to vector<256xi32>
      %broadcast_in_dim3A_124 = vector.shape_cast %reduce_min3A_123 : vector<256xi32> to vector<1x256xi32>
      %eq3A_125 = vector.broadcast %broadcast_in_dim3A_124 : vector<1x256xi32> to vector<6400x256xi32>
      %eq3A_126 = arith.cmpi eq, %iota3A, %eq3A_125 : vector<6400x256xi32>
      %jit3A_127 = arith.constant 0xFF800000 : f32
      %broadcast_in_dim3A_128 = vector.broadcast %jit3A_127 : f32 to vector<6400x256xf32>
      %select_n3A_129 = arith.select %eq3A_126, %broadcast_in_dim3A_128, %select_n3A_113 : vector<6400x256xi1>, vector<6400x256xf32>
      %reduce_max3A_130 = arith.constant dense<0xFF800000> : vector<256xf32>
      %reduce_max3A_131 = vector.multi_reduction <maximumf>, %select_n3A_129, %reduce_max3A_130 [0] : vector<6400x256xf32> to vector<256xf32>
      %broadcast_in_dim3A_132 = vector.shape_cast %reduce_max3A_131 : vector<256xf32> to vector<1x256xf32>
      %eq3A_133 = vector.broadcast %broadcast_in_dim3A_132 : vector<1x256xf32> to vector<6400x256xf32>
      %eq3A_134 = arith.cmpf oeq, %select_n3A_129, %eq3A_133 : vector<6400x256xf32>
      %jit3A_135 = arith.constant 1073741824 : i32
      %broadcast_in_dim3A_136 = vector.broadcast %jit3A_135 : i32 to vector<6400x256xi32>
      %select_n3A_137 = arith.select %eq3A_134, %iota3A, %broadcast_in_dim3A_136 : vector<6400x256xi1>, vector<6400x256xi32>
      %reduce_min3A_138 = arith.constant dense<2147483647> : vector<256xi32>
      %reduce_min3A_139 = vector.multi_reduction <minsi>, %select_n3A_137, %reduce_min3A_138 [0] : vector<6400x256xi32> to vector<256xi32>
      %broadcast_in_dim3A_140 = vector.shape_cast %reduce_min3A_139 : vector<256xi32> to vector<1x256xi32>
      %eq3A_141 = vector.broadcast %broadcast_in_dim3A_140 : vector<1x256xi32> to vector<6400x256xi32>
      %eq3A_142 = arith.cmpi eq, %iota3A, %eq3A_141 : vector<6400x256xi32>
      %jit3A_143 = arith.constant 0xFF800000 : f32
      %broadcast_in_dim3A_144 = vector.broadcast %jit3A_143 : f32 to vector<6400x256xf32>
      %select_n3A_145 = arith.select %eq3A_142, %broadcast_in_dim3A_144, %select_n3A_129 : vector<6400x256xi1>, vector<6400x256xf32>
      %reduce_max3A_146 = arith.constant dense<0xFF800000> : vector<256xf32>
      %reduce_max3A_147 = vector.multi_reduction <maximumf>, %select_n3A_145, %reduce_max3A_146 [0] : vector<6400x256xf32> to vector<256xf32>
      %broadcast_in_dim3A_148 = vector.shape_cast %reduce_max3A_147 : vector<256xf32> to vector<1x256xf32>
      %eq3A_149 = vector.broadcast %broadcast_in_dim3A_148 : vector<1x256xf32> to vector<6400x256xf32>
      %eq3A_150 = arith.cmpf oeq, %select_n3A_145, %eq3A_149 : vector<6400x256xf32>
      %jit3A_151 = arith.constant 1073741824 : i32
      %broadcast_in_dim3A_152 = vector.broadcast %jit3A_151 : i32 to vector<6400x256xi32>
      %select_n3A_153 = arith.select %eq3A_150, %iota3A, %broadcast_in_dim3A_152 : vector<6400x256xi1>, vector<6400x256xi32>
      %reduce_min3A_154 = arith.constant dense<2147483647> : vector<256xi32>
      %reduce_min3A_155 = vector.multi_reduction <minsi>, %select_n3A_153, %reduce_min3A_154 [0] : vector<6400x256xi32> to vector<256xi32>
      %broadcast_in_dim3A_156 = vector.shape_cast %reduce_min3A_155 : vector<256xi32> to vector<1x256xi32>
      %eq3A_157 = vector.broadcast %broadcast_in_dim3A_156 : vector<1x256xi32> to vector<6400x256xi32>
      %eq3A_158 = arith.cmpi eq, %iota3A, %eq3A_157 : vector<6400x256xi32>
      %jit3A_159 = arith.constant 0xFF800000 : f32
      %broadcast_in_dim3A_160 = vector.broadcast %jit3A_159 : f32 to vector<6400x256xf32>
      %select_n3A_161 = arith.select %eq3A_158, %broadcast_in_dim3A_160, %select_n3A_145 : vector<6400x256xi1>, vector<6400x256xf32>
      %reduce_max3A_162 = arith.constant dense<0xFF800000> : vector<256xf32>
      %reduce_max3A_163 = vector.multi_reduction <maximumf>, %select_n3A_161, %reduce_max3A_162 [0] : vector<6400x256xf32> to vector<256xf32>
      %broadcast_in_dim3A_164 = vector.shape_cast %reduce_max3A_163 : vector<256xf32> to vector<1x256xf32>
      %eq3A_165 = vector.broadcast %broadcast_in_dim3A_164 : vector<1x256xf32> to vector<6400x256xf32>
      %eq3A_166 = arith.cmpf oeq, %select_n3A_161, %eq3A_165 : vector<6400x256xf32>
      %jit3A_167 = arith.constant 1073741824 : i32
      %broadcast_in_dim3A_168 = vector.broadcast %jit3A_167 : i32 to vector<6400x256xi32>
      %select_n3A_169 = arith.select %eq3A_166, %iota3A, %broadcast_in_dim3A_168 : vector<6400x256xi1>, vector<6400x256xi32>
      %reduce_min3A_170 = arith.constant dense<2147483647> : vector<256xi32>
      %reduce_min3A_171 = vector.multi_reduction <minsi>, %select_n3A_169, %reduce_min3A_170 [0] : vector<6400x256xi32> to vector<256xi32>
      %broadcast_in_dim3A_172 = vector.shape_cast %reduce_min3A_171 : vector<256xi32> to vector<1x256xi32>
      %eq3A_173 = vector.broadcast %broadcast_in_dim3A_172 : vector<1x256xi32> to vector<6400x256xi32>
      %eq3A_174 = arith.cmpi eq, %iota3A, %eq3A_173 : vector<6400x256xi32>
      %jit3A_175 = arith.constant 0xFF800000 : f32
      %broadcast_in_dim3A_176 = vector.broadcast %jit3A_175 : f32 to vector<6400x256xf32>
      %select_n3A_177 = arith.select %eq3A_174, %broadcast_in_dim3A_176, %select_n3A_161 : vector<6400x256xi1>, vector<6400x256xf32>
      %reduce_max3A_178 = arith.constant dense<0xFF800000> : vector<256xf32>
      %reduce_max3A_179 = vector.multi_reduction <maximumf>, %select_n3A_177, %reduce_max3A_178 [0] : vector<6400x256xf32> to vector<256xf32>
      %broadcast_in_dim3A_180 = vector.shape_cast %reduce_max3A_179 : vector<256xf32> to vector<1x256xf32>
      %eq3A_181 = vector.broadcast %broadcast_in_dim3A_180 : vector<1x256xf32> to vector<6400x256xf32>
      %eq3A_182 = arith.cmpf oeq, %select_n3A_177, %eq3A_181 : vector<6400x256xf32>
      %jit3A_183 = arith.constant 1073741824 : i32
      %broadcast_in_dim3A_184 = vector.broadcast %jit3A_183 : i32 to vector<6400x256xi32>
      %select_n3A_185 = arith.select %eq3A_182, %iota3A, %broadcast_in_dim3A_184 : vector<6400x256xi1>, vector<6400x256xi32>
      %reduce_min3A_186 = arith.constant dense<2147483647> : vector<256xi32>
      %reduce_min3A_187 = vector.multi_reduction <minsi>, %select_n3A_185, %reduce_min3A_186 [0] : vector<6400x256xi32> to vector<256xi32>
      %broadcast_in_dim3A_188 = vector.shape_cast %reduce_min3A_187 : vector<256xi32> to vector<1x256xi32>
      %eq3A_189 = vector.broadcast %broadcast_in_dim3A_188 : vector<1x256xi32> to vector<6400x256xi32>
      %eq3A_190 = arith.cmpi eq, %iota3A, %eq3A_189 : vector<6400x256xi32>
      %jit3A_191 = arith.constant 0xFF800000 : f32
      %broadcast_in_dim3A_192 = vector.broadcast %jit3A_191 : f32 to vector<6400x256xf32>
      %select_n3A_193 = arith.select %eq3A_190, %broadcast_in_dim3A_192, %select_n3A_177 : vector<6400x256xi1>, vector<6400x256xf32>
      %reduce_max3A_194 = arith.constant dense<0xFF800000> : vector<256xf32>
      %reduce_max3A_195 = vector.multi_reduction <maximumf>, %select_n3A_193, %reduce_max3A_194 [0] : vector<6400x256xf32> to vector<256xf32>
      %broadcast_in_dim3A_196 = vector.shape_cast %reduce_max3A_195 : vector<256xf32> to vector<1x256xf32>
      %eq3A_197 = vector.broadcast %broadcast_in_dim3A_196 : vector<1x256xf32> to vector<6400x256xf32>
      %eq3A_198 = arith.cmpf oeq, %select_n3A_193, %eq3A_197 : vector<6400x256xf32>
      %jit3A_199 = arith.constant 1073741824 : i32
      %broadcast_in_dim3A_200 = vector.broadcast %jit3A_199 : i32 to vector<6400x256xi32>
      %select_n3A_201 = arith.select %eq3A_198, %iota3A, %broadcast_in_dim3A_200 : vector<6400x256xi1>, vector<6400x256xi32>
      %reduce_min3A_202 = arith.constant dense<2147483647> : vector<256xi32>
      %reduce_min3A_203 = vector.multi_reduction <minsi>, %select_n3A_201, %reduce_min3A_202 [0] : vector<6400x256xi32> to vector<256xi32>
      %broadcast_in_dim3A_204 = vector.shape_cast %reduce_min3A_203 : vector<256xi32> to vector<1x256xi32>
      %eq3A_205 = vector.broadcast %broadcast_in_dim3A_204 : vector<1x256xi32> to vector<6400x256xi32>
      %eq3A_206 = arith.cmpi eq, %iota3A, %eq3A_205 : vector<6400x256xi32>
      %jit3A_207 = arith.constant 0xFF800000 : f32
      %broadcast_in_dim3A_208 = vector.broadcast %jit3A_207 : f32 to vector<6400x256xf32>
      %select_n3A_209 = arith.select %eq3A_206, %broadcast_in_dim3A_208, %select_n3A_193 : vector<6400x256xi1>, vector<6400x256xf32>
      %reduce_max3A_210 = arith.constant dense<0xFF800000> : vector<256xf32>
      %reduce_max3A_211 = vector.multi_reduction <maximumf>, %select_n3A_209, %reduce_max3A_210 [0] : vector<6400x256xf32> to vector<256xf32>
      %broadcast_in_dim3A_212 = vector.shape_cast %reduce_max3A_211 : vector<256xf32> to vector<1x256xf32>
      %eq3A_213 = vector.broadcast %broadcast_in_dim3A_212 : vector<1x256xf32> to vector<6400x256xf32>
      %eq3A_214 = arith.cmpf oeq, %select_n3A_209, %eq3A_213 : vector<6400x256xf32>
      %jit3A_215 = arith.constant 1073741824 : i32
      %broadcast_in_dim3A_216 = vector.broadcast %jit3A_215 : i32 to vector<6400x256xi32>
      %select_n3A_217 = arith.select %eq3A_214, %iota3A, %broadcast_in_dim3A_216 : vector<6400x256xi1>, vector<6400x256xi32>
      %reduce_min3A_218 = arith.constant dense<2147483647> : vector<256xi32>
      %reduce_min3A_219 = vector.multi_reduction <minsi>, %select_n3A_217, %reduce_min3A_218 [0] : vector<6400x256xi32> to vector<256xi32>
      %broadcast_in_dim3A_220 = vector.shape_cast %reduce_min3A_219 : vector<256xi32> to vector<1x256xi32>
      %eq3A_221 = vector.broadcast %broadcast_in_dim3A_220 : vector<1x256xi32> to vector<6400x256xi32>
      %eq3A_222 = arith.cmpi eq, %iota3A, %eq3A_221 : vector<6400x256xi32>
      %jit3A_223 = arith.constant 0xFF800000 : f32
      %broadcast_in_dim3A_224 = vector.broadcast %jit3A_223 : f32 to vector<6400x256xf32>
      %select_n3A_225 = arith.select %eq3A_222, %broadcast_in_dim3A_224, %select_n3A_209 : vector<6400x256xi1>, vector<6400x256xf32>
      %reduce_max3A_226 = arith.constant dense<0xFF800000> : vector<256xf32>
      %reduce_max3A_227 = vector.multi_reduction <maximumf>, %select_n3A_225, %reduce_max3A_226 [0] : vector<6400x256xf32> to vector<256xf32>
      %broadcast_in_dim3A_228 = vector.shape_cast %reduce_max3A_227 : vector<256xf32> to vector<1x256xf32>
      %eq3A_229 = vector.broadcast %broadcast_in_dim3A_228 : vector<1x256xf32> to vector<6400x256xf32>
      %eq3A_230 = arith.cmpf oeq, %select_n3A_225, %eq3A_229 : vector<6400x256xf32>
      %jit3A_231 = arith.constant 1073741824 : i32
      %broadcast_in_dim3A_232 = vector.broadcast %jit3A_231 : i32 to vector<6400x256xi32>
      %select_n3A_233 = arith.select %eq3A_230, %iota3A, %broadcast_in_dim3A_232 : vector<6400x256xi1>, vector<6400x256xi32>
      %reduce_min3A_234 = arith.constant dense<2147483647> : vector<256xi32>
      %reduce_min3A_235 = vector.multi_reduction <minsi>, %select_n3A_233, %reduce_min3A_234 [0] : vector<6400x256xi32> to vector<256xi32>
      %broadcast_in_dim3A_236 = vector.shape_cast %reduce_min3A_235 : vector<256xi32> to vector<1x256xi32>
      %eq3A_237 = vector.broadcast %broadcast_in_dim3A_236 : vector<1x256xi32> to vector<6400x256xi32>
      %eq3A_238 = arith.cmpi eq, %iota3A, %eq3A_237 : vector<6400x256xi32>
      %jit3A_239 = arith.constant 0xFF800000 : f32
      %broadcast_in_dim3A_240 = vector.broadcast %jit3A_239 : f32 to vector<6400x256xf32>
      %select_n3A_241 = arith.select %eq3A_238, %broadcast_in_dim3A_240, %select_n3A_225 : vector<6400x256xi1>, vector<6400x256xf32>
      %reduce_max3A_242 = arith.constant dense<0xFF800000> : vector<256xf32>
      %reduce_max3A_243 = vector.multi_reduction <maximumf>, %select_n3A_241, %reduce_max3A_242 [0] : vector<6400x256xf32> to vector<256xf32>
      %broadcast_in_dim3A_244 = vector.shape_cast %reduce_max3A_243 : vector<256xf32> to vector<1x256xf32>
      %eq3A_245 = vector.broadcast %broadcast_in_dim3A_244 : vector<1x256xf32> to vector<6400x256xf32>
      %eq3A_246 = arith.cmpf oeq, %select_n3A_241, %eq3A_245 : vector<6400x256xf32>
      %jit3A_247 = arith.constant 1073741824 : i32
      %broadcast_in_dim3A_248 = vector.broadcast %jit3A_247 : i32 to vector<6400x256xi32>
      %select_n3A_249 = arith.select %eq3A_246, %iota3A, %broadcast_in_dim3A_248 : vector<6400x256xi1>, vector<6400x256xi32>
      %reduce_min3A_250 = arith.constant dense<2147483647> : vector<256xi32>
      %reduce_min3A_251 = vector.multi_reduction <minsi>, %select_n3A_249, %reduce_min3A_250 [0] : vector<6400x256xi32> to vector<256xi32>
      %broadcast_in_dim3A_252 = vector.shape_cast %reduce_min3A_251 : vector<256xi32> to vector<1x256xi32>
      %eq3A_253 = vector.broadcast %broadcast_in_dim3A_252 : vector<1x256xi32> to vector<6400x256xi32>
      %eq3A_254 = arith.cmpi eq, %iota3A, %eq3A_253 : vector<6400x256xi32>
      %jit3A_255 = arith.constant 0xFF800000 : f32
      %broadcast_in_dim3A_256 = vector.broadcast %jit3A_255 : f32 to vector<6400x256xf32>
      %select_n3A_257 = arith.select %eq3A_254, %broadcast_in_dim3A_256, %select_n3A_241 : vector<6400x256xi1>, vector<6400x256xf32>
      %reduce_max3A_258 = arith.constant dense<0xFF800000> : vector<256xf32>
      %reduce_max3A_259 = vector.multi_reduction <maximumf>, %select_n3A_257, %reduce_max3A_258 [0] : vector<6400x256xf32> to vector<256xf32>
      %broadcast_in_dim3A_260 = vector.shape_cast %reduce_max3A_259 : vector<256xf32> to vector<1x256xf32>
      %eq3A_261 = vector.broadcast %broadcast_in_dim3A_260 : vector<1x256xf32> to vector<6400x256xf32>
      %eq3A_262 = arith.cmpf oeq, %select_n3A_257, %eq3A_261 : vector<6400x256xf32>
      %jit3A_263 = arith.constant 1073741824 : i32
      %broadcast_in_dim3A_264 = vector.broadcast %jit3A_263 : i32 to vector<6400x256xi32>
      %select_n3A_265 = arith.select %eq3A_262, %iota3A, %broadcast_in_dim3A_264 : vector<6400x256xi1>, vector<6400x256xi32>
      %reduce_min3A_266 = arith.constant dense<2147483647> : vector<256xi32>
      %reduce_min3A_267 = vector.multi_reduction <minsi>, %select_n3A_265, %reduce_min3A_266 [0] : vector<6400x256xi32> to vector<256xi32>
      %broadcast_in_dim3A_268 = vector.shape_cast %reduce_min3A_267 : vector<256xi32> to vector<1x256xi32>
      %eq3A_269 = vector.broadcast %broadcast_in_dim3A_268 : vector<1x256xi32> to vector<6400x256xi32>
      %eq3A_270 = arith.cmpi eq, %iota3A, %eq3A_269 : vector<6400x256xi32>
      %jit3A_271 = arith.constant 0xFF800000 : f32
      %broadcast_in_dim3A_272 = vector.broadcast %jit3A_271 : f32 to vector<6400x256xf32>
      %select_n3A_273 = arith.select %eq3A_270, %broadcast_in_dim3A_272, %select_n3A_257 : vector<6400x256xi1>, vector<6400x256xf32>
      %reduce_max3A_274 = arith.constant dense<0xFF800000> : vector<256xf32>
      %reduce_max3A_275 = vector.multi_reduction <maximumf>, %select_n3A_273, %reduce_max3A_274 [0] : vector<6400x256xf32> to vector<256xf32>
      %broadcast_in_dim3A_276 = vector.shape_cast %reduce_max3A_275 : vector<256xf32> to vector<1x256xf32>
      %eq3A_277 = vector.broadcast %broadcast_in_dim3A_276 : vector<1x256xf32> to vector<6400x256xf32>
      %eq3A_278 = arith.cmpf oeq, %select_n3A_273, %eq3A_277 : vector<6400x256xf32>
      %jit3A_279 = arith.constant 1073741824 : i32
      %broadcast_in_dim3A_280 = vector.broadcast %jit3A_279 : i32 to vector<6400x256xi32>
      %select_n3A_281 = arith.select %eq3A_278, %iota3A, %broadcast_in_dim3A_280 : vector<6400x256xi1>, vector<6400x256xi32>
      %reduce_min3A_282 = arith.constant dense<2147483647> : vector<256xi32>
      %reduce_min3A_283 = vector.multi_reduction <minsi>, %select_n3A_281, %reduce_min3A_282 [0] : vector<6400x256xi32> to vector<256xi32>
      %broadcast_in_dim3A_284 = vector.shape_cast %reduce_min3A_283 : vector<256xi32> to vector<1x256xi32>
      %concatenate3A = tpu.concatenate %broadcast_in_dim3A_44, %broadcast_in_dim3A_60, %broadcast_in_dim3A_76, %broadcast_in_dim3A_92, %broadcast_in_dim3A_108, %broadcast_in_dim3A_124, %broadcast_in_dim3A_140, %broadcast_in_dim3A_156, %broadcast_in_dim3A_172, %broadcast_in_dim3A_188, %broadcast_in_dim3A_204, %broadcast_in_dim3A_220, %broadcast_in_dim3A_236, %broadcast_in_dim3A_252, %broadcast_in_dim3A_268, %broadcast_in_dim3A_284 in 0 : vector<1x256xi32>, vector<1x256xi32>, vector<1x256xi32>, vector<1x256xi32>, vector<1x256xi32>, vector<1x256xi32>, vector<1x256xi32>, vector<1x256xi32>, vector<1x256xi32>, vector<1x256xi32>, vector<1x256xi32>, vector<1x256xi32>, vector<1x256xi32>, vector<1x256xi32>, vector<1x256xi32>, vector<1x256xi32> -> vector<16x256xi32>
      %swap3A_285 = arith.constant 0 : index
      %swap3A_286 = arith.constant 0 : index
      %swap3A_287 = vector.load %arg5[%swap3A_285, %swap3A_286] : memref<16x256xi32, #tpu.memory_space<vmem>>, vector<16x256xi32>
      tpu.vector_store %arg5[%swap3A_285, %swap3A_286], %concatenate3A {strides = array<i32>} : memref<16x256xi32, #tpu.memory_space<vmem>>, vector<16x256xi32>,
    } else {
    }
    return
  }
  func.func @transform_0(%arg0: i32, %arg1: i32) -> (i32, i32) {
    %c0_i32 = arith.constant 0 : i32
    %c0_i32_0 = arith.constant 0 : i32
    return %arg0, %c0_i32 : i32, i32
  }
  func.func @transform_1(%arg0: i32, %arg1: i32) -> (i32, i32) {
    %c0_i32 = arith.constant 0 : i32
    %c0_i32_0 = arith.constant 0 : i32
    return %arg1, %c0_i32 : i32, i32
  }
  func.func @transform_2(%arg0: i32, %arg1: i32) -> (i32, i32) {
    %c0_i32 = arith.constant 0 : i32
    %c0_i32_0 = arith.constant 0 : i32
    return %arg1, %c0_i32 : i32, i32
  }
  func.func @transform_3(%arg0: i32, %arg1: i32) -> (i32, i32) {
    %c0_i32 = arith.constant 0 : i32
    %c0_i32_0 = arith.constant 0 : i32
    return %c0_i32, %arg0 : i32, i32
  }
}

module attributes {stable_mosaic.version = 14 : i64} {
  func.func @_c_body(%arg0: i32, %arg1: memref<64x64xbf16, #tpu.memory_space<vmem>>, %arg2: memref<64x256x64xf32, #tpu.memory_space<vmem>>, %arg3: memref<64x256xf32, #tpu.memory_space<vmem>>, %arg4: memref<64x256xi32, #tpu.memory_space<vmem>>, %arg5: memref<64x1xf32, #tpu.memory_space<vmem>>, %arg6: memref<64x10xf32, #tpu.memory_space<vmem>>, %arg7: memref<64x10xi32, #tpu.memory_space<vmem>>) attributes {dimension_semantics = [#tpu.dimension_semantics<arbitrary>], iteration_bounds = array<i64: 16>, scalar_prefetch = 0 : i64, scratch_operands = 0 : i64, tpu.core_type = #tpu.core_type<tc>, window_params = [{transform_indices = @transform_0, window_bounds = array<i64: 64, 64>}, {transform_indices = @transform_1, window_bounds = array<i64: 64, 256, 64>}, {transform_indices = @transform_2, window_bounds = array<i64: 64, 256>}, {transform_indices = @transform_3, window_bounds = array<i64: 64, 256>}, {transform_indices = @transform_4, window_bounds = array<i64: 64, 1>}, {transform_indices = @transform_5, window_bounds = array<i64: 64, 10>}, {transform_indices = @transform_6, window_bounds = array<i64: 64, 10>}]} {
    %get3A = arith.constant 0 : index
    %get3A_0 = arith.constant 0 : index
    %get3A_1 = vector.load %arg1[%get3A, %get3A_0] : memref<64x64xbf16, #tpu.memory_space<vmem>>, vector<64x64xbf16>
    %get3A_2 = arith.constant 0 : index
    %get3A_3 = arith.constant 0 : index
    %get3A_4 = arith.constant 0 : index
    %get3A_5 = vector.load %arg2[%get3A_2, %get3A_3, %get3A_4] : memref<64x256x64xf32, #tpu.memory_space<vmem>>, vector<64x256x64xf32>
    %reshape3A = vector.shape_cast %get3A_5 : vector<64x256x64xf32> to vector<16384x64xf32>
    %convert_element_type3A = arith.truncf %reshape3A : vector<16384x64xf32> to vector<16384x64xbf16>
    %dot_general3A = arith.constant dense<0.000000e+00> : vector<64x16384xf32>
    %dot_general3A_6 = tpu.matmul %get3A_1, %convert_element_type3A, %dot_general3A {dimension_numbers = #tpu.dot_dimension_numbers<[1], [1], [0], [0], [0, 0, 1, 0], [], []>, transpose_lhs_hint = false} : vector<64x64xbf16>, vector<16384x64xbf16>, vector<64x16384xf32> -> vector<64x16384xf32>
    %reshape3A_7 = vector.shape_cast %dot_general3A_6 : vector<64x16384xf32> to vector<64x64x256xf32>
    %iota3A = tpu.iota {dimensions = array<i32: 0>} : vector<64x64x256xi32>
    %iota3A_8 = tpu.iota {dimensions = array<i32: 1>} : vector<64x64x256xi32>
    %eq3A = arith.cmpi eq, %iota3A, %iota3A_8 : vector<64x64x256xi32>
    %jit3A = arith.constant 0xFF800000 : f32
    %broadcast_in_dim3A = vector.broadcast %jit3A : f32 to vector<64x64x256xf32>
    %select_n3A = arith.select %eq3A, %reshape3A_7, %broadcast_in_dim3A : vector<64x64x256xi1>, vector<64x64x256xf32>
    %slice3A = vector.extract_strided_slice %select_n3A {offsets = [0, 0, 0], sizes = [64, 32, 256], strides = [1, 1, 1]} : vector<64x64x256xf32> to vector<64x32x256xf32>
    %slice3A_9 = vector.extract_strided_slice %select_n3A {offsets = [0, 32, 0], sizes = [64, 32, 256], strides = [1, 1, 1]} : vector<64x64x256xf32> to vector<64x32x256xf32>
    %max3A = arith.maximumf %slice3A, %slice3A_9 : vector<64x32x256xf32>
    %slice3A_10 = vector.extract_strided_slice %max3A {offsets = [0, 0, 0], sizes = [64, 16, 256], strides = [1, 1, 1]} : vector<64x32x256xf32> to vector<64x16x256xf32>
    %slice3A_11 = vector.extract_strided_slice %max3A {offsets = [0, 16, 0], sizes = [64, 16, 256], strides = [1, 1, 1]} : vector<64x32x256xf32> to vector<64x16x256xf32>
    %max3A_12 = arith.maximumf %slice3A_10, %slice3A_11 : vector<64x16x256xf32>
    %slice3A_13 = vector.extract_strided_slice %max3A_12 {offsets = [0, 0, 0], sizes = [64, 8, 256], strides = [1, 1, 1]} : vector<64x16x256xf32> to vector<64x8x256xf32>
    %slice3A_14 = vector.extract_strided_slice %max3A_12 {offsets = [0, 8, 0], sizes = [64, 8, 256], strides = [1, 1, 1]} : vector<64x16x256xf32> to vector<64x8x256xf32>
    %max3A_15 = arith.maximumf %slice3A_13, %slice3A_14 : vector<64x8x256xf32>
    %slice3A_16 = vector.extract_strided_slice %max3A_15 {offsets = [0, 0, 0], sizes = [64, 4, 256], strides = [1, 1, 1]} : vector<64x8x256xf32> to vector<64x4x256xf32>
    %slice3A_17 = vector.extract_strided_slice %max3A_15 {offsets = [0, 4, 0], sizes = [64, 4, 256], strides = [1, 1, 1]} : vector<64x8x256xf32> to vector<64x4x256xf32>
    %max3A_18 = arith.maximumf %slice3A_16, %slice3A_17 : vector<64x4x256xf32>
    %slice3A_19 = vector.extract_strided_slice %max3A_18 {offsets = [0, 0, 0], sizes = [64, 2, 256], strides = [1, 1, 1]} : vector<64x4x256xf32> to vector<64x2x256xf32>
    %slice3A_20 = vector.extract_strided_slice %max3A_18 {offsets = [0, 2, 0], sizes = [64, 2, 256], strides = [1, 1, 1]} : vector<64x4x256xf32> to vector<64x2x256xf32>
    %max3A_21 = arith.maximumf %slice3A_19, %slice3A_20 : vector<64x2x256xf32>
    %slice3A_22 = vector.extract_strided_slice %max3A_21 {offsets = [0, 0, 0], sizes = [64, 1, 256], strides = [1, 1, 1]} : vector<64x2x256xf32> to vector<64x1x256xf32>
    %slice3A_23 = vector.extract_strided_slice %max3A_21 {offsets = [0, 1, 0], sizes = [64, 1, 256], strides = [1, 1, 1]} : vector<64x2x256xf32> to vector<64x1x256xf32>
    %max3A_24 = arith.maximumf %slice3A_22, %slice3A_23 : vector<64x1x256xf32>
    %reshape3A_25 = vector.shape_cast %max3A_24 : vector<64x1x256xf32> to vector<64x256xf32>
    %get3A_26 = arith.constant 0 : index
    %get3A_27 = arith.constant 0 : index
    %get3A_28 = vector.load %arg3[%get3A_26, %get3A_27] : memref<64x256xf32, #tpu.memory_space<vmem>>, vector<64x256xf32>
    %get3A_29 = arith.constant 0 : index
    %get3A_30 = arith.constant 0 : index
    %get3A_31 = vector.load %arg5[%get3A_29, %get3A_30] : memref<64x1xf32, #tpu.memory_space<vmem>>, vector<64x1xf32>
    %mul3A = vector.broadcast %get3A_31 : vector<64x1xf32> to vector<64x256xf32>
    %mul3A_32 = arith.mulf %mul3A, %get3A_28 : vector<64x256xf32>
    %add3A = arith.constant 9.99999997E-7 : f32
    %add3A_33 = vector.broadcast %add3A : f32 to vector<64x256xf32>
    %add3A_34 = arith.addf %mul3A_32, %add3A_33 : vector<64x256xf32>
    %div3A = arith.constant 1.000000e+00 : f32
    %div3A_35 = vector.broadcast %div3A : f32 to vector<64x256xf32>
    %div3A_36 = arith.divf %div3A_35, %add3A_34 : vector<64x256xf32>
    %mul3A_37 = arith.mulf %reshape3A_25, %div3A_36 : vector<64x256xf32>
    %get3A_38 = arith.constant 0 : index
    %get3A_39 = arith.constant 0 : index
    %get3A_40 = vector.load %arg4[%get3A_38, %get3A_39] : memref<64x256xi32, #tpu.memory_space<vmem>>, vector<64x256xi32>
    %reduce_max3A = arith.constant dense<0xFF800000> : vector<64xf32>
    %reduce_max3A_41 = vector.multi_reduction <maximumf>, %mul3A_37, %reduce_max3A [1] : vector<64x256xf32> to vector<64xf32>
    %broadcast_in_dim3A_42 = vector.shape_cast %reduce_max3A_41 : vector<64xf32> to vector<64x1xf32>
    %eq3A_43 = vector.broadcast %broadcast_in_dim3A_42 : vector<64x1xf32> to vector<64x256xf32>
    %eq3A_44 = arith.cmpf oeq, %mul3A_37, %eq3A_43 : vector<64x256xf32>
    %jit3A_45 = arith.constant 1073741824 : i32
    %broadcast_in_dim3A_46 = vector.broadcast %jit3A_45 : i32 to vector<64x256xi32>
    %select_n3A_47 = arith.select %eq3A_44, %get3A_40, %broadcast_in_dim3A_46 : vector<64x256xi1>, vector<64x256xi32>
    %reduce_min3A = arith.constant dense<2147483647> : vector<64xi32>
    %reduce_min3A_48 = vector.multi_reduction <minsi>, %select_n3A_47, %reduce_min3A [1] : vector<64x256xi32> to vector<64xi32>
    %broadcast_in_dim3A_49 = vector.shape_cast %reduce_min3A_48 : vector<64xi32> to vector<64x1xi32>
    %eq3A_50 = vector.broadcast %broadcast_in_dim3A_49 : vector<64x1xi32> to vector<64x256xi32>
    %eq3A_51 = arith.cmpi eq, %get3A_40, %eq3A_50 : vector<64x256xi32>
    %jit3A_52 = arith.constant 0xFF800000 : f32
    %broadcast_in_dim3A_53 = vector.broadcast %jit3A_52 : f32 to vector<64x256xf32>
    %select_n3A_54 = arith.select %eq3A_51, %broadcast_in_dim3A_53, %mul3A_37 : vector<64x256xi1>, vector<64x256xf32>
    %ne3A = arith.constant 0.000000e+00 : f32
    %ne3A_55 = vector.broadcast %ne3A : f32 to vector<64x1xf32>
    %ne3A_56 = arith.cmpf one, %broadcast_in_dim3A_42, %ne3A_55 : vector<64x1xf32>
    %jit3A_57 = arith.constant 0.000000e+00 : f32
    %broadcast_in_dim3A_58 = vector.broadcast %jit3A_57 : f32 to vector<64x1xf32>
    %select_n3A_59 = arith.select %ne3A_56, %broadcast_in_dim3A_42, %broadcast_in_dim3A_58 : vector<64x1xi1>, vector<64x1xf32>
    %swap3A = arith.constant 0 : index
    %swap3A_60 = arith.constant 0 : index
    %swap3A_61 = vector.load %arg6[%swap3A, %swap3A_60] : memref<64x10xf32, #tpu.memory_space<vmem>>, vector<64x1xf32>
    tpu.vector_store %arg6[%swap3A, %swap3A_60], %select_n3A_59 {strides = array<i32>} : memref<64x10xf32, #tpu.memory_space<vmem>>, vector<64x1xf32>,
    %swap3A_62 = arith.constant 0 : index
    %swap3A_63 = arith.constant 0 : index
    %swap3A_64 = vector.load %arg7[%swap3A_62, %swap3A_63] : memref<64x10xi32, #tpu.memory_space<vmem>>, vector<64x1xi32>
    tpu.vector_store %arg7[%swap3A_62, %swap3A_63], %broadcast_in_dim3A_49 {strides = array<i32>} : memref<64x10xi32, #tpu.memory_space<vmem>>, vector<64x1xi32>,
    %reduce_max3A_65 = arith.constant dense<0xFF800000> : vector<64xf32>
    %reduce_max3A_66 = vector.multi_reduction <maximumf>, %select_n3A_54, %reduce_max3A_65 [1] : vector<64x256xf32> to vector<64xf32>
    %broadcast_in_dim3A_67 = vector.shape_cast %reduce_max3A_66 : vector<64xf32> to vector<64x1xf32>
    %eq3A_68 = vector.broadcast %broadcast_in_dim3A_67 : vector<64x1xf32> to vector<64x256xf32>
    %eq3A_69 = arith.cmpf oeq, %select_n3A_54, %eq3A_68 : vector<64x256xf32>
    %jit3A_70 = arith.constant 1073741824 : i32
    %broadcast_in_dim3A_71 = vector.broadcast %jit3A_70 : i32 to vector<64x256xi32>
    %select_n3A_72 = arith.select %eq3A_69, %get3A_40, %broadcast_in_dim3A_71 : vector<64x256xi1>, vector<64x256xi32>
    %reduce_min3A_73 = arith.constant dense<2147483647> : vector<64xi32>
    %reduce_min3A_74 = vector.multi_reduction <minsi>, %select_n3A_72, %reduce_min3A_73 [1] : vector<64x256xi32> to vector<64xi32>
    %broadcast_in_dim3A_75 = vector.shape_cast %reduce_min3A_74 : vector<64xi32> to vector<64x1xi32>
    %eq3A_76 = vector.broadcast %broadcast_in_dim3A_75 : vector<64x1xi32> to vector<64x256xi32>
    %eq3A_77 = arith.cmpi eq, %get3A_40, %eq3A_76 : vector<64x256xi32>
    %jit3A_78 = arith.constant 0xFF800000 : f32
    %broadcast_in_dim3A_79 = vector.broadcast %jit3A_78 : f32 to vector<64x256xf32>
    %select_n3A_80 = arith.select %eq3A_77, %broadcast_in_dim3A_79, %select_n3A_54 : vector<64x256xi1>, vector<64x256xf32>
    %ne3A_81 = arith.constant 0.000000e+00 : f32
    %ne3A_82 = vector.broadcast %ne3A_81 : f32 to vector<64x1xf32>
    %ne3A_83 = arith.cmpf one, %broadcast_in_dim3A_67, %ne3A_82 : vector<64x1xf32>
    %jit3A_84 = arith.constant 0.000000e+00 : f32
    %broadcast_in_dim3A_85 = vector.broadcast %jit3A_84 : f32 to vector<64x1xf32>
    %select_n3A_86 = arith.select %ne3A_83, %broadcast_in_dim3A_67, %broadcast_in_dim3A_85 : vector<64x1xi1>, vector<64x1xf32>
    %swap3A_87 = arith.constant 0 : index
    %swap3A_88 = arith.constant 1 : index
    %swap3A_89 = vector.load %arg6[%swap3A_87, %swap3A_88] : memref<64x10xf32, #tpu.memory_space<vmem>>, vector<64x1xf32>
    tpu.vector_store %arg6[%swap3A_87, %swap3A_88], %select_n3A_86 {strides = array<i32>} : memref<64x10xf32, #tpu.memory_space<vmem>>, vector<64x1xf32>,
    %swap3A_90 = arith.constant 0 : index
    %swap3A_91 = arith.constant 1 : index
    %swap3A_92 = vector.load %arg7[%swap3A_90, %swap3A_91] : memref<64x10xi32, #tpu.memory_space<vmem>>, vector<64x1xi32>
    tpu.vector_store %arg7[%swap3A_90, %swap3A_91], %broadcast_in_dim3A_75 {strides = array<i32>} : memref<64x10xi32, #tpu.memory_space<vmem>>, vector<64x1xi32>,
    %reduce_max3A_93 = arith.constant dense<0xFF800000> : vector<64xf32>
    %reduce_max3A_94 = vector.multi_reduction <maximumf>, %select_n3A_80, %reduce_max3A_93 [1] : vector<64x256xf32> to vector<64xf32>
    %broadcast_in_dim3A_95 = vector.shape_cast %reduce_max3A_94 : vector<64xf32> to vector<64x1xf32>
    %eq3A_96 = vector.broadcast %broadcast_in_dim3A_95 : vector<64x1xf32> to vector<64x256xf32>
    %eq3A_97 = arith.cmpf oeq, %select_n3A_80, %eq3A_96 : vector<64x256xf32>
    %jit3A_98 = arith.constant 1073741824 : i32
    %broadcast_in_dim3A_99 = vector.broadcast %jit3A_98 : i32 to vector<64x256xi32>
    %select_n3A_100 = arith.select %eq3A_97, %get3A_40, %broadcast_in_dim3A_99 : vector<64x256xi1>, vector<64x256xi32>
    %reduce_min3A_101 = arith.constant dense<2147483647> : vector<64xi32>
    %reduce_min3A_102 = vector.multi_reduction <minsi>, %select_n3A_100, %reduce_min3A_101 [1] : vector<64x256xi32> to vector<64xi32>
    %broadcast_in_dim3A_103 = vector.shape_cast %reduce_min3A_102 : vector<64xi32> to vector<64x1xi32>
    %eq3A_104 = vector.broadcast %broadcast_in_dim3A_103 : vector<64x1xi32> to vector<64x256xi32>
    %eq3A_105 = arith.cmpi eq, %get3A_40, %eq3A_104 : vector<64x256xi32>
    %jit3A_106 = arith.constant 0xFF800000 : f32
    %broadcast_in_dim3A_107 = vector.broadcast %jit3A_106 : f32 to vector<64x256xf32>
    %select_n3A_108 = arith.select %eq3A_105, %broadcast_in_dim3A_107, %select_n3A_80 : vector<64x256xi1>, vector<64x256xf32>
    %ne3A_109 = arith.constant 0.000000e+00 : f32
    %ne3A_110 = vector.broadcast %ne3A_109 : f32 to vector<64x1xf32>
    %ne3A_111 = arith.cmpf one, %broadcast_in_dim3A_95, %ne3A_110 : vector<64x1xf32>
    %jit3A_112 = arith.constant 0.000000e+00 : f32
    %broadcast_in_dim3A_113 = vector.broadcast %jit3A_112 : f32 to vector<64x1xf32>
    %select_n3A_114 = arith.select %ne3A_111, %broadcast_in_dim3A_95, %broadcast_in_dim3A_113 : vector<64x1xi1>, vector<64x1xf32>
    %swap3A_115 = arith.constant 0 : index
    %swap3A_116 = arith.constant 2 : index
    %swap3A_117 = vector.load %arg6[%swap3A_115, %swap3A_116] : memref<64x10xf32, #tpu.memory_space<vmem>>, vector<64x1xf32>
    tpu.vector_store %arg6[%swap3A_115, %swap3A_116], %select_n3A_114 {strides = array<i32>} : memref<64x10xf32, #tpu.memory_space<vmem>>, vector<64x1xf32>,
    %swap3A_118 = arith.constant 0 : index
    %swap3A_119 = arith.constant 2 : index
    %swap3A_120 = vector.load %arg7[%swap3A_118, %swap3A_119] : memref<64x10xi32, #tpu.memory_space<vmem>>, vector<64x1xi32>
    tpu.vector_store %arg7[%swap3A_118, %swap3A_119], %broadcast_in_dim3A_103 {strides = array<i32>} : memref<64x10xi32, #tpu.memory_space<vmem>>, vector<64x1xi32>,
    %reduce_max3A_121 = arith.constant dense<0xFF800000> : vector<64xf32>
    %reduce_max3A_122 = vector.multi_reduction <maximumf>, %select_n3A_108, %reduce_max3A_121 [1] : vector<64x256xf32> to vector<64xf32>
    %broadcast_in_dim3A_123 = vector.shape_cast %reduce_max3A_122 : vector<64xf32> to vector<64x1xf32>
    %eq3A_124 = vector.broadcast %broadcast_in_dim3A_123 : vector<64x1xf32> to vector<64x256xf32>
    %eq3A_125 = arith.cmpf oeq, %select_n3A_108, %eq3A_124 : vector<64x256xf32>
    %jit3A_126 = arith.constant 1073741824 : i32
    %broadcast_in_dim3A_127 = vector.broadcast %jit3A_126 : i32 to vector<64x256xi32>
    %select_n3A_128 = arith.select %eq3A_125, %get3A_40, %broadcast_in_dim3A_127 : vector<64x256xi1>, vector<64x256xi32>
    %reduce_min3A_129 = arith.constant dense<2147483647> : vector<64xi32>
    %reduce_min3A_130 = vector.multi_reduction <minsi>, %select_n3A_128, %reduce_min3A_129 [1] : vector<64x256xi32> to vector<64xi32>
    %broadcast_in_dim3A_131 = vector.shape_cast %reduce_min3A_130 : vector<64xi32> to vector<64x1xi32>
    %eq3A_132 = vector.broadcast %broadcast_in_dim3A_131 : vector<64x1xi32> to vector<64x256xi32>
    %eq3A_133 = arith.cmpi eq, %get3A_40, %eq3A_132 : vector<64x256xi32>
    %jit3A_134 = arith.constant 0xFF800000 : f32
    %broadcast_in_dim3A_135 = vector.broadcast %jit3A_134 : f32 to vector<64x256xf32>
    %select_n3A_136 = arith.select %eq3A_133, %broadcast_in_dim3A_135, %select_n3A_108 : vector<64x256xi1>, vector<64x256xf32>
    %ne3A_137 = arith.constant 0.000000e+00 : f32
    %ne3A_138 = vector.broadcast %ne3A_137 : f32 to vector<64x1xf32>
    %ne3A_139 = arith.cmpf one, %broadcast_in_dim3A_123, %ne3A_138 : vector<64x1xf32>
    %jit3A_140 = arith.constant 0.000000e+00 : f32
    %broadcast_in_dim3A_141 = vector.broadcast %jit3A_140 : f32 to vector<64x1xf32>
    %select_n3A_142 = arith.select %ne3A_139, %broadcast_in_dim3A_123, %broadcast_in_dim3A_141 : vector<64x1xi1>, vector<64x1xf32>
    %swap3A_143 = arith.constant 0 : index
    %swap3A_144 = arith.constant 3 : index
    %swap3A_145 = vector.load %arg6[%swap3A_143, %swap3A_144] : memref<64x10xf32, #tpu.memory_space<vmem>>, vector<64x1xf32>
    tpu.vector_store %arg6[%swap3A_143, %swap3A_144], %select_n3A_142 {strides = array<i32>} : memref<64x10xf32, #tpu.memory_space<vmem>>, vector<64x1xf32>,
    %swap3A_146 = arith.constant 0 : index
    %swap3A_147 = arith.constant 3 : index
    %swap3A_148 = vector.load %arg7[%swap3A_146, %swap3A_147] : memref<64x10xi32, #tpu.memory_space<vmem>>, vector<64x1xi32>
    tpu.vector_store %arg7[%swap3A_146, %swap3A_147], %broadcast_in_dim3A_131 {strides = array<i32>} : memref<64x10xi32, #tpu.memory_space<vmem>>, vector<64x1xi32>,
    %reduce_max3A_149 = arith.constant dense<0xFF800000> : vector<64xf32>
    %reduce_max3A_150 = vector.multi_reduction <maximumf>, %select_n3A_136, %reduce_max3A_149 [1] : vector<64x256xf32> to vector<64xf32>
    %broadcast_in_dim3A_151 = vector.shape_cast %reduce_max3A_150 : vector<64xf32> to vector<64x1xf32>
    %eq3A_152 = vector.broadcast %broadcast_in_dim3A_151 : vector<64x1xf32> to vector<64x256xf32>
    %eq3A_153 = arith.cmpf oeq, %select_n3A_136, %eq3A_152 : vector<64x256xf32>
    %jit3A_154 = arith.constant 1073741824 : i32
    %broadcast_in_dim3A_155 = vector.broadcast %jit3A_154 : i32 to vector<64x256xi32>
    %select_n3A_156 = arith.select %eq3A_153, %get3A_40, %broadcast_in_dim3A_155 : vector<64x256xi1>, vector<64x256xi32>
    %reduce_min3A_157 = arith.constant dense<2147483647> : vector<64xi32>
    %reduce_min3A_158 = vector.multi_reduction <minsi>, %select_n3A_156, %reduce_min3A_157 [1] : vector<64x256xi32> to vector<64xi32>
    %broadcast_in_dim3A_159 = vector.shape_cast %reduce_min3A_158 : vector<64xi32> to vector<64x1xi32>
    %eq3A_160 = vector.broadcast %broadcast_in_dim3A_159 : vector<64x1xi32> to vector<64x256xi32>
    %eq3A_161 = arith.cmpi eq, %get3A_40, %eq3A_160 : vector<64x256xi32>
    %jit3A_162 = arith.constant 0xFF800000 : f32
    %broadcast_in_dim3A_163 = vector.broadcast %jit3A_162 : f32 to vector<64x256xf32>
    %select_n3A_164 = arith.select %eq3A_161, %broadcast_in_dim3A_163, %select_n3A_136 : vector<64x256xi1>, vector<64x256xf32>
    %ne3A_165 = arith.constant 0.000000e+00 : f32
    %ne3A_166 = vector.broadcast %ne3A_165 : f32 to vector<64x1xf32>
    %ne3A_167 = arith.cmpf one, %broadcast_in_dim3A_151, %ne3A_166 : vector<64x1xf32>
    %jit3A_168 = arith.constant 0.000000e+00 : f32
    %broadcast_in_dim3A_169 = vector.broadcast %jit3A_168 : f32 to vector<64x1xf32>
    %select_n3A_170 = arith.select %ne3A_167, %broadcast_in_dim3A_151, %broadcast_in_dim3A_169 : vector<64x1xi1>, vector<64x1xf32>
    %swap3A_171 = arith.constant 0 : index
    %swap3A_172 = arith.constant 4 : index
    %swap3A_173 = vector.load %arg6[%swap3A_171, %swap3A_172] : memref<64x10xf32, #tpu.memory_space<vmem>>, vector<64x1xf32>
    tpu.vector_store %arg6[%swap3A_171, %swap3A_172], %select_n3A_170 {strides = array<i32>} : memref<64x10xf32, #tpu.memory_space<vmem>>, vector<64x1xf32>,
    %swap3A_174 = arith.constant 0 : index
    %swap3A_175 = arith.constant 4 : index
    %swap3A_176 = vector.load %arg7[%swap3A_174, %swap3A_175] : memref<64x10xi32, #tpu.memory_space<vmem>>, vector<64x1xi32>
    tpu.vector_store %arg7[%swap3A_174, %swap3A_175], %broadcast_in_dim3A_159 {strides = array<i32>} : memref<64x10xi32, #tpu.memory_space<vmem>>, vector<64x1xi32>,
    %reduce_max3A_177 = arith.constant dense<0xFF800000> : vector<64xf32>
    %reduce_max3A_178 = vector.multi_reduction <maximumf>, %select_n3A_164, %reduce_max3A_177 [1] : vector<64x256xf32> to vector<64xf32>
    %broadcast_in_dim3A_179 = vector.shape_cast %reduce_max3A_178 : vector<64xf32> to vector<64x1xf32>
    %eq3A_180 = vector.broadcast %broadcast_in_dim3A_179 : vector<64x1xf32> to vector<64x256xf32>
    %eq3A_181 = arith.cmpf oeq, %select_n3A_164, %eq3A_180 : vector<64x256xf32>
    %jit3A_182 = arith.constant 1073741824 : i32
    %broadcast_in_dim3A_183 = vector.broadcast %jit3A_182 : i32 to vector<64x256xi32>
    %select_n3A_184 = arith.select %eq3A_181, %get3A_40, %broadcast_in_dim3A_183 : vector<64x256xi1>, vector<64x256xi32>
    %reduce_min3A_185 = arith.constant dense<2147483647> : vector<64xi32>
    %reduce_min3A_186 = vector.multi_reduction <minsi>, %select_n3A_184, %reduce_min3A_185 [1] : vector<64x256xi32> to vector<64xi32>
    %broadcast_in_dim3A_187 = vector.shape_cast %reduce_min3A_186 : vector<64xi32> to vector<64x1xi32>
    %eq3A_188 = vector.broadcast %broadcast_in_dim3A_187 : vector<64x1xi32> to vector<64x256xi32>
    %eq3A_189 = arith.cmpi eq, %get3A_40, %eq3A_188 : vector<64x256xi32>
    %jit3A_190 = arith.constant 0xFF800000 : f32
    %broadcast_in_dim3A_191 = vector.broadcast %jit3A_190 : f32 to vector<64x256xf32>
    %select_n3A_192 = arith.select %eq3A_189, %broadcast_in_dim3A_191, %select_n3A_164 : vector<64x256xi1>, vector<64x256xf32>
    %ne3A_193 = arith.constant 0.000000e+00 : f32
    %ne3A_194 = vector.broadcast %ne3A_193 : f32 to vector<64x1xf32>
    %ne3A_195 = arith.cmpf one, %broadcast_in_dim3A_179, %ne3A_194 : vector<64x1xf32>
    %jit3A_196 = arith.constant 0.000000e+00 : f32
    %broadcast_in_dim3A_197 = vector.broadcast %jit3A_196 : f32 to vector<64x1xf32>
    %select_n3A_198 = arith.select %ne3A_195, %broadcast_in_dim3A_179, %broadcast_in_dim3A_197 : vector<64x1xi1>, vector<64x1xf32>
    %swap3A_199 = arith.constant 0 : index
    %swap3A_200 = arith.constant 5 : index
    %swap3A_201 = vector.load %arg6[%swap3A_199, %swap3A_200] : memref<64x10xf32, #tpu.memory_space<vmem>>, vector<64x1xf32>
    tpu.vector_store %arg6[%swap3A_199, %swap3A_200], %select_n3A_198 {strides = array<i32>} : memref<64x10xf32, #tpu.memory_space<vmem>>, vector<64x1xf32>,
    %swap3A_202 = arith.constant 0 : index
    %swap3A_203 = arith.constant 5 : index
    %swap3A_204 = vector.load %arg7[%swap3A_202, %swap3A_203] : memref<64x10xi32, #tpu.memory_space<vmem>>, vector<64x1xi32>
    tpu.vector_store %arg7[%swap3A_202, %swap3A_203], %broadcast_in_dim3A_187 {strides = array<i32>} : memref<64x10xi32, #tpu.memory_space<vmem>>, vector<64x1xi32>,
    %reduce_max3A_205 = arith.constant dense<0xFF800000> : vector<64xf32>
    %reduce_max3A_206 = vector.multi_reduction <maximumf>, %select_n3A_192, %reduce_max3A_205 [1] : vector<64x256xf32> to vector<64xf32>
    %broadcast_in_dim3A_207 = vector.shape_cast %reduce_max3A_206 : vector<64xf32> to vector<64x1xf32>
    %eq3A_208 = vector.broadcast %broadcast_in_dim3A_207 : vector<64x1xf32> to vector<64x256xf32>
    %eq3A_209 = arith.cmpf oeq, %select_n3A_192, %eq3A_208 : vector<64x256xf32>
    %jit3A_210 = arith.constant 1073741824 : i32
    %broadcast_in_dim3A_211 = vector.broadcast %jit3A_210 : i32 to vector<64x256xi32>
    %select_n3A_212 = arith.select %eq3A_209, %get3A_40, %broadcast_in_dim3A_211 : vector<64x256xi1>, vector<64x256xi32>
    %reduce_min3A_213 = arith.constant dense<2147483647> : vector<64xi32>
    %reduce_min3A_214 = vector.multi_reduction <minsi>, %select_n3A_212, %reduce_min3A_213 [1] : vector<64x256xi32> to vector<64xi32>
    %broadcast_in_dim3A_215 = vector.shape_cast %reduce_min3A_214 : vector<64xi32> to vector<64x1xi32>
    %eq3A_216 = vector.broadcast %broadcast_in_dim3A_215 : vector<64x1xi32> to vector<64x256xi32>
    %eq3A_217 = arith.cmpi eq, %get3A_40, %eq3A_216 : vector<64x256xi32>
    %jit3A_218 = arith.constant 0xFF800000 : f32
    %broadcast_in_dim3A_219 = vector.broadcast %jit3A_218 : f32 to vector<64x256xf32>
    %select_n3A_220 = arith.select %eq3A_217, %broadcast_in_dim3A_219, %select_n3A_192 : vector<64x256xi1>, vector<64x256xf32>
    %ne3A_221 = arith.constant 0.000000e+00 : f32
    %ne3A_222 = vector.broadcast %ne3A_221 : f32 to vector<64x1xf32>
    %ne3A_223 = arith.cmpf one, %broadcast_in_dim3A_207, %ne3A_222 : vector<64x1xf32>
    %jit3A_224 = arith.constant 0.000000e+00 : f32
    %broadcast_in_dim3A_225 = vector.broadcast %jit3A_224 : f32 to vector<64x1xf32>
    %select_n3A_226 = arith.select %ne3A_223, %broadcast_in_dim3A_207, %broadcast_in_dim3A_225 : vector<64x1xi1>, vector<64x1xf32>
    %swap3A_227 = arith.constant 0 : index
    %swap3A_228 = arith.constant 6 : index
    %swap3A_229 = vector.load %arg6[%swap3A_227, %swap3A_228] : memref<64x10xf32, #tpu.memory_space<vmem>>, vector<64x1xf32>
    tpu.vector_store %arg6[%swap3A_227, %swap3A_228], %select_n3A_226 {strides = array<i32>} : memref<64x10xf32, #tpu.memory_space<vmem>>, vector<64x1xf32>,
    %swap3A_230 = arith.constant 0 : index
    %swap3A_231 = arith.constant 6 : index
    %swap3A_232 = vector.load %arg7[%swap3A_230, %swap3A_231] : memref<64x10xi32, #tpu.memory_space<vmem>>, vector<64x1xi32>
    tpu.vector_store %arg7[%swap3A_230, %swap3A_231], %broadcast_in_dim3A_215 {strides = array<i32>} : memref<64x10xi32, #tpu.memory_space<vmem>>, vector<64x1xi32>,
    %reduce_max3A_233 = arith.constant dense<0xFF800000> : vector<64xf32>
    %reduce_max3A_234 = vector.multi_reduction <maximumf>, %select_n3A_220, %reduce_max3A_233 [1] : vector<64x256xf32> to vector<64xf32>
    %broadcast_in_dim3A_235 = vector.shape_cast %reduce_max3A_234 : vector<64xf32> to vector<64x1xf32>
    %eq3A_236 = vector.broadcast %broadcast_in_dim3A_235 : vector<64x1xf32> to vector<64x256xf32>
    %eq3A_237 = arith.cmpf oeq, %select_n3A_220, %eq3A_236 : vector<64x256xf32>
    %jit3A_238 = arith.constant 1073741824 : i32
    %broadcast_in_dim3A_239 = vector.broadcast %jit3A_238 : i32 to vector<64x256xi32>
    %select_n3A_240 = arith.select %eq3A_237, %get3A_40, %broadcast_in_dim3A_239 : vector<64x256xi1>, vector<64x256xi32>
    %reduce_min3A_241 = arith.constant dense<2147483647> : vector<64xi32>
    %reduce_min3A_242 = vector.multi_reduction <minsi>, %select_n3A_240, %reduce_min3A_241 [1] : vector<64x256xi32> to vector<64xi32>
    %broadcast_in_dim3A_243 = vector.shape_cast %reduce_min3A_242 : vector<64xi32> to vector<64x1xi32>
    %eq3A_244 = vector.broadcast %broadcast_in_dim3A_243 : vector<64x1xi32> to vector<64x256xi32>
    %eq3A_245 = arith.cmpi eq, %get3A_40, %eq3A_244 : vector<64x256xi32>
    %jit3A_246 = arith.constant 0xFF800000 : f32
    %broadcast_in_dim3A_247 = vector.broadcast %jit3A_246 : f32 to vector<64x256xf32>
    %select_n3A_248 = arith.select %eq3A_245, %broadcast_in_dim3A_247, %select_n3A_220 : vector<64x256xi1>, vector<64x256xf32>
    %ne3A_249 = arith.constant 0.000000e+00 : f32
    %ne3A_250 = vector.broadcast %ne3A_249 : f32 to vector<64x1xf32>
    %ne3A_251 = arith.cmpf one, %broadcast_in_dim3A_235, %ne3A_250 : vector<64x1xf32>
    %jit3A_252 = arith.constant 0.000000e+00 : f32
    %broadcast_in_dim3A_253 = vector.broadcast %jit3A_252 : f32 to vector<64x1xf32>
    %select_n3A_254 = arith.select %ne3A_251, %broadcast_in_dim3A_235, %broadcast_in_dim3A_253 : vector<64x1xi1>, vector<64x1xf32>
    %swap3A_255 = arith.constant 0 : index
    %swap3A_256 = arith.constant 7 : index
    %swap3A_257 = vector.load %arg6[%swap3A_255, %swap3A_256] : memref<64x10xf32, #tpu.memory_space<vmem>>, vector<64x1xf32>
    tpu.vector_store %arg6[%swap3A_255, %swap3A_256], %select_n3A_254 {strides = array<i32>} : memref<64x10xf32, #tpu.memory_space<vmem>>, vector<64x1xf32>,
    %swap3A_258 = arith.constant 0 : index
    %swap3A_259 = arith.constant 7 : index
    %swap3A_260 = vector.load %arg7[%swap3A_258, %swap3A_259] : memref<64x10xi32, #tpu.memory_space<vmem>>, vector<64x1xi32>
    tpu.vector_store %arg7[%swap3A_258, %swap3A_259], %broadcast_in_dim3A_243 {strides = array<i32>} : memref<64x10xi32, #tpu.memory_space<vmem>>, vector<64x1xi32>,
    %reduce_max3A_261 = arith.constant dense<0xFF800000> : vector<64xf32>
    %reduce_max3A_262 = vector.multi_reduction <maximumf>, %select_n3A_248, %reduce_max3A_261 [1] : vector<64x256xf32> to vector<64xf32>
    %broadcast_in_dim3A_263 = vector.shape_cast %reduce_max3A_262 : vector<64xf32> to vector<64x1xf32>
    %eq3A_264 = vector.broadcast %broadcast_in_dim3A_263 : vector<64x1xf32> to vector<64x256xf32>
    %eq3A_265 = arith.cmpf oeq, %select_n3A_248, %eq3A_264 : vector<64x256xf32>
    %jit3A_266 = arith.constant 1073741824 : i32
    %broadcast_in_dim3A_267 = vector.broadcast %jit3A_266 : i32 to vector<64x256xi32>
    %select_n3A_268 = arith.select %eq3A_265, %get3A_40, %broadcast_in_dim3A_267 : vector<64x256xi1>, vector<64x256xi32>
    %reduce_min3A_269 = arith.constant dense<2147483647> : vector<64xi32>
    %reduce_min3A_270 = vector.multi_reduction <minsi>, %select_n3A_268, %reduce_min3A_269 [1] : vector<64x256xi32> to vector<64xi32>
    %broadcast_in_dim3A_271 = vector.shape_cast %reduce_min3A_270 : vector<64xi32> to vector<64x1xi32>
    %eq3A_272 = vector.broadcast %broadcast_in_dim3A_271 : vector<64x1xi32> to vector<64x256xi32>
    %eq3A_273 = arith.cmpi eq, %get3A_40, %eq3A_272 : vector<64x256xi32>
    %jit3A_274 = arith.constant 0xFF800000 : f32
    %broadcast_in_dim3A_275 = vector.broadcast %jit3A_274 : f32 to vector<64x256xf32>
    %select_n3A_276 = arith.select %eq3A_273, %broadcast_in_dim3A_275, %select_n3A_248 : vector<64x256xi1>, vector<64x256xf32>
    %ne3A_277 = arith.constant 0.000000e+00 : f32
    %ne3A_278 = vector.broadcast %ne3A_277 : f32 to vector<64x1xf32>
    %ne3A_279 = arith.cmpf one, %broadcast_in_dim3A_263, %ne3A_278 : vector<64x1xf32>
    %jit3A_280 = arith.constant 0.000000e+00 : f32
    %broadcast_in_dim3A_281 = vector.broadcast %jit3A_280 : f32 to vector<64x1xf32>
    %select_n3A_282 = arith.select %ne3A_279, %broadcast_in_dim3A_263, %broadcast_in_dim3A_281 : vector<64x1xi1>, vector<64x1xf32>
    %swap3A_283 = arith.constant 0 : index
    %swap3A_284 = arith.constant 8 : index
    %swap3A_285 = vector.load %arg6[%swap3A_283, %swap3A_284] : memref<64x10xf32, #tpu.memory_space<vmem>>, vector<64x1xf32>
    tpu.vector_store %arg6[%swap3A_283, %swap3A_284], %select_n3A_282 {strides = array<i32>} : memref<64x10xf32, #tpu.memory_space<vmem>>, vector<64x1xf32>,
    %swap3A_286 = arith.constant 0 : index
    %swap3A_287 = arith.constant 8 : index
    %swap3A_288 = vector.load %arg7[%swap3A_286, %swap3A_287] : memref<64x10xi32, #tpu.memory_space<vmem>>, vector<64x1xi32>
    tpu.vector_store %arg7[%swap3A_286, %swap3A_287], %broadcast_in_dim3A_271 {strides = array<i32>} : memref<64x10xi32, #tpu.memory_space<vmem>>, vector<64x1xi32>,
    %reduce_max3A_289 = arith.constant dense<0xFF800000> : vector<64xf32>
    %reduce_max3A_290 = vector.multi_reduction <maximumf>, %select_n3A_276, %reduce_max3A_289 [1] : vector<64x256xf32> to vector<64xf32>
    %broadcast_in_dim3A_291 = vector.shape_cast %reduce_max3A_290 : vector<64xf32> to vector<64x1xf32>
    %eq3A_292 = vector.broadcast %broadcast_in_dim3A_291 : vector<64x1xf32> to vector<64x256xf32>
    %eq3A_293 = arith.cmpf oeq, %select_n3A_276, %eq3A_292 : vector<64x256xf32>
    %jit3A_294 = arith.constant 1073741824 : i32
    %broadcast_in_dim3A_295 = vector.broadcast %jit3A_294 : i32 to vector<64x256xi32>
    %select_n3A_296 = arith.select %eq3A_293, %get3A_40, %broadcast_in_dim3A_295 : vector<64x256xi1>, vector<64x256xi32>
    %reduce_min3A_297 = arith.constant dense<2147483647> : vector<64xi32>
    %reduce_min3A_298 = vector.multi_reduction <minsi>, %select_n3A_296, %reduce_min3A_297 [1] : vector<64x256xi32> to vector<64xi32>
    %broadcast_in_dim3A_299 = vector.shape_cast %reduce_min3A_298 : vector<64xi32> to vector<64x1xi32>
    %ne3A_300 = arith.constant 0.000000e+00 : f32
    %ne3A_301 = vector.broadcast %ne3A_300 : f32 to vector<64x1xf32>
    %ne3A_302 = arith.cmpf one, %broadcast_in_dim3A_291, %ne3A_301 : vector<64x1xf32>
    %jit3A_303 = arith.constant 0.000000e+00 : f32
    %broadcast_in_dim3A_304 = vector.broadcast %jit3A_303 : f32 to vector<64x1xf32>
    %select_n3A_305 = arith.select %ne3A_302, %broadcast_in_dim3A_291, %broadcast_in_dim3A_304 : vector<64x1xi1>, vector<64x1xf32>
    %swap3A_306 = arith.constant 0 : index
    %swap3A_307 = arith.constant 9 : index
    %swap3A_308 = vector.load %arg6[%swap3A_306, %swap3A_307] : memref<64x10xf32, #tpu.memory_space<vmem>>, vector<64x1xf32>
    tpu.vector_store %arg6[%swap3A_306, %swap3A_307], %select_n3A_305 {strides = array<i32>} : memref<64x10xf32, #tpu.memory_space<vmem>>, vector<64x1xf32>,
    %swap3A_309 = arith.constant 0 : index
    %swap3A_310 = arith.constant 9 : index
    %swap3A_311 = vector.load %arg7[%swap3A_309, %swap3A_310] : memref<64x10xi32, #tpu.memory_space<vmem>>, vector<64x1xi32>
    tpu.vector_store %arg7[%swap3A_309, %swap3A_310], %broadcast_in_dim3A_299 {strides = array<i32>} : memref<64x10xi32, #tpu.memory_space<vmem>>, vector<64x1xi32>,
    return
  }
  func.func @transform_0(%arg0: i32) -> (i32, i32) {
    %c0_i32 = arith.constant 0 : i32
    %c0_i32_0 = arith.constant 0 : i32
    return %arg0, %c0_i32 : i32, i32
  }
  func.func @transform_1(%arg0: i32) -> (i32, i32, i32) {
    %c0_i32 = arith.constant 0 : i32
    %c0_i32_0 = arith.constant 0 : i32
    %c0_i32_1 = arith.constant 0 : i32
    return %arg0, %c0_i32, %c0_i32_0 : i32, i32, i32
  }
  func.func @transform_2(%arg0: i32) -> (i32, i32) {
    %c0_i32 = arith.constant 0 : i32
    %c0_i32_0 = arith.constant 0 : i32
    return %arg0, %c0_i32 : i32, i32
  }
  func.func @transform_3(%arg0: i32) -> (i32, i32) {
    %c0_i32 = arith.constant 0 : i32
    %c0_i32_0 = arith.constant 0 : i32
    return %arg0, %c0_i32 : i32, i32
  }
  func.func @transform_4(%arg0: i32) -> (i32, i32) {
    %c0_i32 = arith.constant 0 : i32
    %c0_i32_0 = arith.constant 0 : i32
    return %arg0, %c0_i32 : i32, i32
  }
  func.func @transform_5(%arg0: i32) -> (i32, i32) {
    %c0_i32 = arith.constant 0 : i32
    %c0_i32_0 = arith.constant 0 : i32
    return %arg0, %c0_i32 : i32, i32
  }
  func.func @transform_6(%arg0: i32) -> (i32, i32) {
    %c0_i32 = arith.constant 0 : i32
    %c0_i32_0 = arith.constant 0 : i32
    return %arg0, %c0_i32 : i32, i32
  }
}

</mosaic_0001>

<sc_bundles>
// kernel: kernel.5.cloned.1.call-start
scs
__scs_entry_jumppad:
0x0: {  	(pc) =	sbr.rel $0x88, $3  }
0x1: {  	(tag) =	ssettag $0x0;
	lr =	simm.s32 $0x1  }
0x2: {  	[smem:$0x3F9E] =	sst lr;
	_ =	strace $0xD0000000  }
0x3: {  	_ = 	snop  }
0x4: {  	_ = 	snop  }
0x5: {  	_ = 	snop  }
0x6: {  	_ = 	snop  }
0x7: {  	_ = 	snop  }
__scs_overlays_trampoline_lowered:
0x8: {  	[smem:$0x3FAD] =	sst s0  }
0x9: {  	[smem:$0x3FAE] =	sst s1  }
0xa: {  	[smem:$0x3FAF] =	sst s2  }
0xb: {  	[smem:$0x3FB0] =	sst s3  }
0xc: {  	[smem:$0x3FB1] =	sst s4  }
0xd: {  	[smem:$0x3FB2] =	sst s5  }
0xe: {  	[smem:$0x3FB3] =	sst s6  }
0xf: {  	[smem:$0x3FB4] =	sst s7  }
0x10: {  	[smem:$0x3FB5] =	sst s8  }
0x11: {  	[smem:$0x3FB6] =	sst s9;
	s0 =	simm.s32 @!p0 $0x0  }
0x12: {  	s1 =	sld [smem:$0x3F9C];
	s0 =	simm.s32 @p0 $0x1  }
0x13: {  	[smem:$0x3FB7] =	sst s0;
	s0 =	simm.s32 @!p1 $0x0  }
0x14: {  	s2 =	sld [smem:$0x3F9B];
	s0 =	simm.s32 @p1 $0x1  }
0x15: {  	[smem:$0x3FB8] =	sst s0;
	s0 =	simm.s32 @!p2 $0x0  }
0x16: {  	s3 =	sld [smem:$0x3FDB];
	s0 =	simm.s32 @p2 $0x1  }
0x17: {  	s4 =	simm.s32 $0x1BF5;
	[smem:$0x3FBA] =	sst s0  }
0x18: {  	s0 =	sld [smem:$0x3F9D];
	_ =	swait.ge [sflag:s4], $0x0  }
0x19: {  	s7 =	sld [smem:$0x3F9E]  }
0x1a: {  	s8 =	sadd.s32 $0xFFFFE003, lr  }
0x1b: {  	s9 =	sadd.s32 $0xFFFFFEF7, lr;
	s5 =	simm.s32 $0xFFFFFFFF;
	p2 =	slt.u32 s8, $0xFFFFF086  }
0x1c: {  	p1 =	slt.u32 s9, $0xF7A;
	s5 =	simm.s32 @!p2 $0x0  }
0x1d: {  	s5 =	simm.s32 @p1 $0x1;
	p0 =	seq.s32 s7, s2  }
0x1e: {  	s7 =	smul.u32 @!p0 $0xF7A, s2;
	p2 =	seq.s32 @!p0 s5, $0x0  }
0x1f: {  	s9 =	smul.u32 $0xF7A, s1;
	s8 =	simm.s32 @!p0 $0x1BF5;
	p2 =	por !p2, p0  }
0x20: {  	[sflag:s8] =	ssyncset.s32 @!p0 $0xFFFFF086;
	s6 =	sadd.s32 @!p0 s3, s7;
	s7 =	simm.s32 @!p0 $0x108  }
0x21: {  	s3 =	sadd.s32 s3, s9;
	s6 =	sadd.s32 @!p0 $0x88, s6;
	s7 =	simm.s32 @p2 $0x1082  }
0x22: {  	[simem:s7], [sflag:s8] =	dma.local @!p0 [hbm:s6], $0xF7A  }
0x23: {  	s9 =	sor.u32 $0xD0000000, s2;
	s6 =	simm.s32 $0x108;
	_ =	swait.ge @!p0 [sflag:s8], $0x0  }
0x24: {  	s3 =	sadd.s32 $0x88, s3;
	s6 =	simm.s32 @!p1 $0x1082;
	[sflag:s4] =	ssyncset.s32 $0xFFFFF086  }
0x25: {  	[simem:s6], [sflag:s4] =	dma.local [hbm:s3], $0xF7A  }
0x26: {  	[smem:$0x3F9E] =	sst s1;
	(tag) =	ssettag s2;
	_ =	strace s9  }
0x27: {  	s1 =	sld [smem:$0x3FAE]  }
0x28: {  	s2 =	sld [smem:$0x3FAF]  }
0x29: {  	s4 =	sld [smem:$0x3FB1]  }
0x2a: {  	p0 =	seq.s32 s5, $0x0;
	s5 =	sld [smem:$0x3FB2]  }
0x2b: {  	s6 =	sld [smem:$0x3FB3]  }
0x2c: {  	s7 =	sld [smem:$0x3FB4]  }
0x2d: {  	s3 =	simm.s32 $0x108;
	s8 =	sld [smem:$0x3FB5]  }
0x2e: {  	s3 =	simm.s32 @!p0 $0x1082;
	s9 =	sld [smem:$0x3FB6]  }
0x2f: {  	lr =	sadd.s32 s0, s3;
	s0 =	sld [smem:$0x3FAD]  }
0x30: {  	s3 =	sld [smem:$0x3FB0]  }
0x31: {  	[smem:$0x3FB9] =	sst s10  }
0x32: {  	s10 =	sld [smem:$0x3FB7];
	_ =	sdelay $0x3  }
0x33: {  	p0 =	seq.s32 s10, $0x1;
	s10 =	sld [smem:$0x3FB9];
	_ =	sdelay $0x3  }
0x34: {  	[smem:$0x3FB9] =	sst s10  }
0x35: {  	s10 =	sld [smem:$0x3FB8];
	_ =	sdelay $0x3  }
0x36: {  	p1 =	seq.s32 s10, $0x1;
	s10 =	sld [smem:$0x3FB9];
	_ =	sdelay $0x3  }
0x37: {  	[smem:$0x3FB9] =	sst s10  }
0x38: {  	s10 =	sld [smem:$0x3FBA]  }
0x39: {  	_ = 	snop;
	(pc) =	sbr.ind lr, $3  }
0x3a: {  	_ = 	snop  }
0x3b: {  	_ = 	snop  }
0x3c: {  	p2 =	seq.s32 s10, $0x1;
	s10 =	sld [smem:$0x3FB9]  }
0x3d: {  	_ =	shalt  }
0x3e: {  	_ =	shalt  }
0x3f: {  	_ =	shalt  }
0x40: {  	_ =	shalt  }
0x41: {  	_ =	shalt  }
0x42: {  	_ =	shalt  }
0x43: {  	_ =	shalt  }
0x44: {  	_ =	shalt  }
0x45: {  	_ =	shalt  }
0x46: {  	_ =	shalt  }
0x47: {  	_ =	shalt  }
0x48: {  	_ =	shalt  }
0x49: {  	_ =	shalt  }
0x4a: {  	_ =	shalt  }
0x4b: {  	_ =	shalt  }
0x4c: {  	_ =	shalt  }
0x4d: {  	_ =	shalt  }
0x4e: {  	_ =	shalt  }
0x4f: {  	_ =	shalt  }
0x50: {  	_ =	shalt  }
0x51: {  	_ =	shalt  }
0x52: {  	_ =	shalt  }
0x53: {  	_ =	shalt  }
0x54: {  	_ =	shalt  }
0x55: {  	_ =	shalt  }
0x56: {  	_ =	shalt  }
0x57: {  	_ =	shalt  }
0x58: {  	_ =	shalt  }
0x59: {  	_ =	shalt  }
0x5a: {  	_ =	shalt  }
0x5b: {  	_ =	shalt  }
0x5c: {  	_ =	shalt  }
0x5d: {  	_ =	shalt  }
0x5e: {  	_ =	shalt  }
0x5f: {  	_ =	shalt  }
0x60: {  	_ =	shalt  }
0x61: {  	_ =	shalt  }
0x62: {  	_ =	shalt  }
0x63: {  	_ =	shalt  }
0x64: {  	_ =	shalt  }
0x65: {  	_ =	shalt  }
0x66: {  	_ =	shalt  }
0x67: {  	_ =	shalt  }
0x68: {  	_ =	shalt  }
0x69: {  	_ =	shalt  }
0x6a: {  	_ =	shalt  }
0x6b: {  	_ =	shalt  }
0x6c: {  	_ =	shalt  }
0x6d: {  	_ =	shalt  }
0x6e: {  	_ =	shalt  }
0x6f: {  	_ =	shalt  }
0x70: {  	_ =	shalt  }
0x71: {  	_ =	shalt  }
0x72: {  	_ =	shalt  }
0x73: {  	_ =	shalt  }
0x74: {  	_ =	shalt  }
0x75: {  	_ =	shalt  }
0x76: {  	_ =	shalt  }
0x77: {  	_ =	shalt  }
0x78: {  	_ =	shalt  }
0x79: {  	_ =	shalt  }
0x7a: {  	_ =	shalt  }
0x7b: {  	_ =	shalt  }
0x7c: {  	_ =	shalt  }
0x7d: {  	_ =	shalt  }
0x7e: {  	_ =	shalt  }
0x7f: {  	_ =	shalt  }
0x80: {  	_ =	shalt  }
0x81: {  	_ =	shalt  }
0x82: {  	_ =	shalt  }
0x83: {  	_ =	shalt  }
0x84: {  	_ =	shalt  }
0x85: {  	_ =	shalt  }
0x86: {  	_ =	shalt  }
0x87: {  	_ =	shalt  }
.Lfunc_end0:
.L_simem_size_0:
called_computation_lowered:
.L_overlay_start_0:
0x88: {  	s2 =	sld [smem:$0x3FD9]  }
0x89: {  	s3 =	sld [smem:$0x3FFE];
	_ =	sdelay $0x1  }
0x8a: {  	s1 =	srdreg.scid  }
0x8b: {  	s0 =	sand.u32 $0x1, s1  }
0x8c: {  	s14 =	sshll.u32 s0, $0xA;
	s2 =	sadd.s32 s3, s2  }
0x8d: {  	s2 =	sadd.s32 s2, s14  }
0x8e: {  	[smem:$0x3FC5] =	sst s2  }
0x8f: {  	_ = 	snop  }
0x90: {  	s2 =	sld [smem:$0x3FD0];
	_ =	sdelay $0x2  }
0x91: {  	s15 =	simm.s32 $0xA;
	s4 =	simm.s32 $0x10  }
0x92: {  	[smem:s4], [sflag:s15] =	dma.local [hbm:s2], $0x1  }
0x93: {  	_ =	swait.eq [sflag:s15], $0x1  }
0x94: {  	[sflag:s15] =	ssyncset.done $0x0  }
0x95: {  	[sflag:s15] =	ssyncadd.s32 $0xFFFFFFFF  }
0x96: {  	s16 =	sld [smem:$0x11];
	(tm) =	ssettm $0x1  }
0x97: {  	s17 =	sld [smem:$0x3FFB];
	_ =	sdelay $0x3  }
0x98: {  	_ =	strace s17  }
0x99: {  	s3 =	sld [smem:$0x3FFC];
	_ =	sdelay $0x3  }
0x9a: {  	_ =	strace s3  }
0x9b: {  	s3 =	sld [smem:$0x3FFD];
	_ =	sdelay $0x3  }
0x9c: {  	_ =	strace s3  }
0x9d: {  	_ =	strace $0x8FFFFFFF  }
0x9e: {  	s18 =	sld [smem:$0x3FDB];
	_ =	sdelay $0x1  }
0x9f: {  	s19 =	simm.s32 $_scs_section_size  }
0xa0: {  	s5 =	simm.s32 $_size__tile_overlayer_lowered;
	s6 =	simm.s32 $_tile_overlayer_lowered  }
0xa1: {  	s22 =	simm.s32 $0x1BFF;
	s21 =	sshll.u32 s6, $0x1;
	s3 =	sadd.s32 s19, s18  }
0xa2: {  	s7 =	simm.s32 $0x0;
	s20 =	sshll.u32 s5, $0x1;
	s5 =	sadd.s32 s21, s3  }
0xa3: {  	[timem:s7], [sflag:s22] =	dma.local [hbm:s5], s20  }
0xa4: {  	_ =	swait.ge [sflag:s22], s20  }
0xa5: {  	s4 =	ssub.s32 $0x0, s20;
	[sflag:s22] =	ssyncset.done $0x0  }
0xa6: {  	[sflag:s22] =	ssyncadd.s32 s4;
	_ =	sdelay $0x1  }
0xa7: {  	s23 =	simm.s32 $0x1B8B  }
0xa8: {  	_ =	swait.ge [sflag:s23], $0x1  }
0xa9: {  	[sflag:s23] =	ssyncset.done $0x0  }
0xaa: {  	s25 =	simm.s32 $0x1B8E;
	s24 =	sld [smem:$0x3FFE];
	[sflag:s23] =	ssyncadd.s32 $0xFFFFFFFF  }
0xab: {  	s26 =	simm.s32 $execute0_lowered;
	[smem:$0x3FD2] =	sst s25  }
0xac: {  	s5 =	sshll.u32 s26, $0x1;
	_ =	strace $0x80000046;
	[dreg:$0x1] =	wrdreg $0xFFFFFFFF  }
0xad: {  	s28 =	simm.s32 $_size_execute0_lowered;
	s3 =	sadd.s32 s3, s5;
	[dreg:$0x0] =	wrdreg $0x0  }
0xae: {  	s5 =	sshll.u32 s28, $0x1;
	[dreg:$0x2] =	wrdreg s3  }
0xaf: {  	[dreg:$0x3] =	wrdreg s5  }
0xb0: {  	[dreg:$0x4] =	wrdreg $0xC0  }
0xb1: {  	_ =	task [dreg:s7], $0x5FFFF  }
0xb2: {  	[dreg:$0x1] =	wrdreg $0xFFFFFFFF  }
0xb3: {  	[dreg:$0x0] =	wrdreg $0x60  }
0xb4: {  	[dreg:$0x2] =	wrdreg s24  }
0xb5: {  	[dreg:$0x3] =	wrdreg s16  }
0xb6: {  	[dreg:$0x4] =	wrdreg $0x9  }
0xb7: {  	_ =	task.clear_ibuf [dreg:s7], $0x5FFFF;
	_ =	strace $0x90000046  }
0xb8: {  	s29 =	simm.s32 $0x9;
	_ =	strace $0x80000048  }
0xb9: {  	_ =	swait.ge [sflag:s29], $0x1  }
0xba: {  	[sflag:s29] =	ssyncadd.s32 $0xFFFFFFFF  }
0xbb: {  	_ =	strace $0x90000048  }
0xbc: {  	_ =	sfence  }
0xbd: {  	s30 =	sld [smem:$0x0];
	_ =	sdelay $0x2  }
0xbe: {  	s31 =	sshll.u32 s1, $0xD;
	s1 =	sshrl.u32 s1, $0x2  }
0xbf: {  	s3 =	sand.u32 $0x4000, s31;
	s1 =	sadd.s32 s1, s30  }
0xc0: {  	s0 =	sor.u32 s3, s0;
	s1 =	sshll.u32 s1, $0x11  }
0xc1: {  	s0 =	sor.u32 s1, s0  }
0xc2: {  	s0 =	sadd.s32 $0x8F2B, s0  }
0xc3: {  	[sflag:s0] =	ssyncadd.remote.s32 $0x1  }
0xc4: {  	_ =	sfence.sel $0xFFFF  }
0xc5: {  	[dreg:$0x0] =	wrdreg $0xFFFFFFFF;
	(pc) =	sbr.abs _section_cstart, $3  }
0xc6: {  	[dreg:$0x1] =	wrdreg $0xFFFFFFFF  }
0xc7: {  	_ =	task.clear_ibuf [dreg:s7], $0x2FFFF;
	_ =	strace $0x9FFFFFFF  }
0xc8: {  	(tm) =	ssettm $0x7FFFFFFF  }
0xc9: {  	_ =	shalt  }
tec
execute0_lowered:
.L_overlay_start_1:
0x0: {  	(tag) =	ssettag $0x1  }
0x1: {  	s0 =	rddreg [dreg:$0x0]  }
0x2: {  	s1 =	rddreg [dreg:$0x1]  }
0x3: {  	s2 =	srdreg.scid;
	s5 =	stileid.u32;
	s23 =	simm.s32 $0x880  }
0x4: {  	s25 =	simm.s32 $0x1080;
	s26 =	simm.s32 $0x1880;
	s6 =	simm.s32 $0x2880  }
0x5: {  	s11 =	simm.s32 $0x3080;
	s8 =	sand.u32 $0x1, s2;
	s2 =	simm.s32 $0x0  }
0x6: {  	s13 =	simm.s32 $0x3880;
	s22 =	sadd.s32 $0x1E8E00, s0;
	[smem:$0x7FF] =	sst s2  }
0x7: {  	s14 =	simm.s32 $0x4080;
	_ =	strace $0x80000047;
	[dreg:$0x3] =	wrdreg s22  }
0x8: {  	s15 =	simm.s32 $0x4880;
	s16 =	simm.s32 $0x5080;
	[dreg:$0x5] =	wrdreg s23  }
0x9: {  	s3 =	sshll.u32 s5, $0xA;
	s24 =	sshll.u32 s5, $0x11;
	[dreg:$0x6] =	wrdreg s25  }
0xa: {  	s31 =	sshll.u32 s5, $0xE;
	s5 =	simm.s32 $0x2080;
	[dreg:$0x7] =	wrdreg s26  }
0xb: {  	s17 =	simm.s32 $0x5880;
	s19 =	simm.s32 $0x6080;
	[dreg:$0x8] =	wrdreg s5  }
0xc: {  	s21 =	simm.s32 $0x6880;
	s28 =	simm.s32 $0x1;
	[dreg:$0x9] =	wrdreg s6  }
0xd: {  	s29 =	simm.s32 $0x2;
	s30 =	simm.s32 $0x0;
	[dreg:$0xa] =	wrdreg s11  }
0xe: {  	s4 =	sshll.u32 s8, $0x9;
	s9 =	sadd.s32 s24, s0;
	[dreg:$0xb] =	wrdreg s13  }
0xf: {  	s10 =	sadd.s32 s31, s0;
	s7 =	ssub.s32 $0x2, s8;
	[dreg:$0xc] =	wrdreg s14  }
0x10: {  	s20 =	sshll.u32 s8, $0xD;
	s24 =	simm.s32 $0x7880;
	[dreg:$0xd] =	wrdreg s15  }
0x11: {  	s8 =	sshll.u32 s8, $0x10;
	s31 =	simm.s32 $0x9080;
	[dreg:$0xe] =	wrdreg s16  }
0x12: {  	s3 =	sor.u32 s4, s3;
	s12 =	sshrl.u32 s7, $0x1;
	[dreg:$0xf] =	wrdreg s17  }
0x13: {  	s4 =	sadd.s32 $0x201700, s0;
	s5 =	sadd.s32 $0x201800, s0;
	[dreg:$0x10] =	wrdreg s19  }
0x14: {  	s6 =	sadd.s32 $0x201900, s0;
	[dreg:$0x11] =	wrdreg s21;
	s22 =	simm.s32 $0x7080  }
0x15: {  	[dreg:$0x13] =	wrdreg s24;
	s25 =	simm.s32 $0x8080;
	s8 =	sadd.s32 s8, s9  }
0x16: {  	s26 =	simm.s32 $0x8880;
	s11 =	simm.s32 $0x80;
	[dreg:$0x16] =	wrdreg s31  }
0x17: {  	s13 =	simm.s32 $0xA080;
	s14 =	simm.s32 $0xA880;
	s15 =	simm.s32 $0xB080  }
0x18: {  	s16 =	simm.s32 $0xB880;
	s17 =	simm.s32 $0xC080;
	s19 =	simm.s32 $0xD080  }
0x19: {  	s21 =	simm.s32 $0xE080;
	s24 =	simm.s32 $0xF880;
	[dreg:$0x12] =	wrdreg s22  }
0x1a: {  	s3 =	sshrl.u32 s3, $0x3;
	s7 =	ssub.s32 s7, s12;
	[dreg:$0x14] =	wrdreg s25  }
0x1b: {  	s9 =	sadd.s32 $0x2C4E00, s8;
	[dreg:$0x15] =	wrdreg s26;
	s12 =	simm.s32 $0x9880  }
0x1c: {  	s22 =	simm.s32 $0xE880;
	s25 =	simm.s32 $0x40;
	s1 =	sadd.s32 s3, s1  }
0x1d: {  	s26 =	simm.s32 $0x10080;
	s18 =	smax.u32 s7, $0x1;
	[dreg:$0x4] =	wrdreg s1  }
0x1e: {  	v2 =	vlaneseq.u32;
	s3 =	sadd.s32 $0x201600, s0;
	[dreg:$0x17] =	wrdreg s18;
	s1 =	sadd.s32 s20, s10  }
0x1f: {  	vm0 =	vmmov $0xffff;
	v1 =	vshrl.u32 v2, $0x3;
	s10 =	simm.s32 $0x3;
	s18 =	simm.s32 $0xC880;
	s23 =	sadd.s32 $0x800, s1  }
0x20: {  	v0 =	vand.u32 $0x7, v2;
	v2 =	vor.u32 $0x8, v2;
	v1 =	vmul.u32 $0x8, v1;
	s20 =	simm.s32 $0xD880;
	[dreg:$0x18] =	wrdreg s23;
	s23 =	simm.s32 $0xF080  }
.LBB2_1:
0x21: {  	s31 =	smov.u32 s9;
	s8 =	rddreg [dreg:$0x18];
	s1 =	simm.s32 $0x0  }
.LBB2_2:
0x22: {  	s7 =	rddreg [dreg:$0x4]  }
0x23: {  	s7 =	sadd.s32 s1, s7  }
0x24: {  	[tilespmem:s2], [sflag:$0x3] =	stream.linear.gather [hbm4b:s7+s2], $0x40, $0x38;
	[tilespmem:$0x12080] =	vst v63  }
0x25: {  	_ =	swait.ge [sflag:s10], $0x40  }
0x26: {  	[sflag:s10] =	ssyncset.done $0x0  }
0x27: {  	[sflag:s10] =	ssyncadd.s32 $0xFFFFFFC0  }
0x28: {  	v3 =	vld [tilespmem:$0x0];
	_ =	sdelay $0x4  }
0x29: {  	v4 =	vshll.u32 v3, $0x3  }
0x2a: {  	v3 =	vand.u32 $0x7, v3;
	v4 =	vand.u32 $0xFFFFFFC0, v4  }
0x2b: {  	v3 =	vor.u32 v3, v4  }
0x2c: {  	v4 =	vperm.xlane v3, v0;
	_ =	sdelay $0x1  }
0x2d: {  	v4 =	vadd.s32 v1, v4;
	_ =	sdelay $0x4  }
0x2e: {  	[tilespmem:s11], [sflag:$0x1] =	stream.indirect_vreg.gather [hbm4b:s3+s2], $0x80, v4, vm0, $0xb8;
	[tilespmem:$0x12080] =	vst v63  }
0x2f: {  	s7 =	rddreg [dreg:$0x5];
	v3 =	vperm.xlane v3, v2  }
0x30: {  	[tilespmem:s7], [sflag:$0x1] =	stream.indirect_vreg.gather [hbm4b:s4+s2], $0x80, v4, vm0, $0xb8;
	[tilespmem:$0x12080] =	vst v63  }
0x31: {  	s0 =	rddreg [dreg:$0x6];
	v3 =	vadd.s32 v1, v3  }
0x32: {  	[tilespmem:s0], [sflag:$0x1] =	stream.indirect_vreg.gather [hbm4b:s5+s2], $0x80, v4, vm0, $0xb8;
	[tilespmem:$0x12080] =	vst v63  }
0x33: {  	s7 =	rddreg [dreg:$0x7]  }
0x34: {  	[tilespmem:s7], [sflag:$0x1] =	stream.indirect_vreg.gather [hbm4b:s6+s2], $0x80, v4, vm0, $0xb8;
	[tilespmem:$0x12080] =	vst v63  }
0x35: {  	s0 =	rddreg [dreg:$0x8]  }
0x36: {  	[tilespmem:s0], [sflag:$0x1] =	stream.indirect_vreg.gather [hbm4b:s3+s2], $0x80, v3, vm0, $0xb8;
	[tilespmem:$0x12080] =	vst v63  }
0x37: {  	s7 =	rddreg [dreg:$0x9]  }
0x38: {  	[tilespmem:s7], [sflag:$0x1] =	stream.indirect_vreg.gather [hbm4b:s4+s2], $0x80, v3, vm0, $0xb8;
	[tilespmem:$0x12080] =	vst v63  }
0x39: {  	s0 =	rddreg [dreg:$0xa]  }
0x3a: {  	[tilespmem:s0], [sflag:$0x1] =	stream.indirect_vreg.gather [hbm4b:s5+s2], $0x80, v3, vm0, $0xb8;
	[tilespmem:$0x12080] =	vst v63  }
0x3b: {  	s7 =	rddreg [dreg:$0xb]  }
0x3c: {  	[tilespmem:s7], [sflag:$0x1] =	stream.indirect_vreg.gather [hbm4b:s6+s2], $0x80, v3, vm0, $0xb8;
	[tilespmem:$0x12080] =	vst v63  }
0x3d: {  	v3 =	vld [tilespmem:$0x10];
	_ =	sdelay $0x4  }
0x3e: {  	v61 =	vshll.u32 v3, $0x3  }
0x3f: {  	v3 =	vand.u32 $0x7, v3;
	v4 =	vand.u32 $0xFFFFFFC0, v61  }
0x40: {  	v3 =	vor.u32 v3, v4  }
0x41: {  	v4 =	vperm.xlane v3, v0;
	_ =	sdelay $0x1  }
0x42: {  	v4 =	vadd.s32 v1, v4;
	_ =	sdelay $0x3  }
0x43: {  	s0 =	rddreg [dreg:$0xc]  }
0x44: {  	[tilespmem:s0], [sflag:$0x1] =	stream.indirect_vreg.gather [hbm4b:s3+s2], $0x80, v4, vm0, $0xb8;
	[tilespmem:$0x12080] =	vst v63  }
0x45: {  	s7 =	rddreg [dreg:$0xd];
	v3 =	vperm.xlane v3, v2  }
0x46: {  	[tilespmem:s7], [sflag:$0x1] =	stream.indirect_vreg.gather [hbm4b:s4+s2], $0x80, v4, vm0, $0xb8;
	[tilespmem:$0x12080] =	vst v63  }
0x47: {  	v3 =	vadd.s32 v1, v3;
	s0 =	rddreg [dreg:$0xe]  }
0x48: {  	[tilespmem:s0], [sflag:$0x1] =	stream.indirect_vreg.gather [hbm4b:s5+s2], $0x80, v4, vm0, $0xb8;
	[tilespmem:$0x12080] =	vst v63  }
0x49: {  	s7 =	rddreg [dreg:$0xf]  }
0x4a: {  	[tilespmem:s7], [sflag:$0x1] =	stream.indirect_vreg.gather [hbm4b:s6+s2], $0x80, v4, vm0, $0xb8;
	[tilespmem:$0x12080] =	vst v63  }
0x4b: {  	s0 =	rddreg [dreg:$0x10]  }
0x4c: {  	[tilespmem:s0], [sflag:$0x1] =	stream.indirect_vreg.gather [hbm4b:s3+s2], $0x80, v3, vm0, $0xb8;
	[tilespmem:$0x12080] =	vst v63  }
0x4d: {  	s7 =	rddreg [dreg:$0x11]  }
0x4e: {  	[tilespmem:s7], [sflag:$0x1] =	stream.indirect_vreg.gather [hbm4b:s4+s2], $0x80, v3, vm0, $0xb8;
	[tilespmem:$0x12080] =	vst v63  }
0x4f: {  	s0 =	rddreg [dreg:$0x12]  }
0x50: {  	[tilespmem:s0], [sflag:$0x1] =	stream.indirect_vreg.gather [hbm4b:s5+s2], $0x80, v3, vm0, $0xb8;
	[tilespmem:$0x12080] =	vst v63  }
0x51: {  	s7 =	rddreg [dreg:$0x13]  }
0x52: {  	[tilespmem:s7], [sflag:$0x1] =	stream.indirect_vreg.gather [hbm4b:s6+s2], $0x80, v3, vm0, $0xb8;
	[tilespmem:$0x12080] =	vst v63  }
0x53: {  	v3 =	vld [tilespmem:$0x20];
	_ =	sdelay $0x4  }
0x54: {  	v62 =	vshll.u32 v3, $0x3  }
0x55: {  	v3 =	vand.u32 $0x7, v3;
	v4 =	vand.u32 $0xFFFFFFC0, v62  }
0x56: {  	v3 =	vor.u32 v3, v4  }
0x57: {  	v4 =	vperm.xlane v3, v0;
	_ =	sdelay $0x1  }
0x58: {  	v4 =	vadd.s32 v1, v4;
	_ =	sdelay $0x3  }
0x59: {  	s0 =	rddreg [dreg:$0x14]  }
0x5a: {  	[tilespmem:s0], [sflag:$0x1] =	stream.indirect_vreg.gather [hbm4b:s3+s2], $0x80, v4, vm0, $0xb8;
	[tilespmem:$0x12080] =	vst v63  }
0x5b: {  	s7 =	rddreg [dreg:$0x15];
	v3 =	vperm.xlane v3, v2  }
0x5c: {  	[tilespmem:s7], [sflag:$0x1] =	stream.indirect_vreg.gather [hbm4b:s4+s2], $0x80, v4, vm0, $0xb8;
	[tilespmem:$0x12080] =	vst v63  }
0x5d: {  	v3 =	vadd.s32 v1, v3;
	s0 =	rddreg [dreg:$0x16]  }
0x5e: {  	[tilespmem:s0], [sflag:$0x1] =	stream.indirect_vreg.gather [hbm4b:s5+s2], $0x80, v4, vm0, $0xb8;
	[tilespmem:$0x12080] =	vst v63  }
0x5f: {  	_ = 	snop  }
0x60: {  	[tilespmem:s12], [sflag:$0x1] =	stream.indirect_vreg.gather [hbm4b:s6+s2], $0x80, v4, vm0, $0xb8;
	[tilespmem:$0x12080] =	vst v63  }
0x61: {  	_ = 	snop  }
0x62: {  	[tilespmem:s13], [sflag:$0x1] =	stream.indirect_vreg.gather [hbm4b:s3+s2], $0x80, v3, vm0, $0xb8;
	[tilespmem:$0x12080] =	vst v63  }
0x63: {  	_ = 	snop  }
0x64: {  	[tilespmem:s14], [sflag:$0x1] =	stream.indirect_vreg.gather [hbm4b:s4+s2], $0x80, v3, vm0, $0xb8;
	[tilespmem:$0x12080] =	vst v63  }
0x65: {  	_ = 	snop  }
0x66: {  	[tilespmem:s15], [sflag:$0x1] =	stream.indirect_vreg.gather [hbm4b:s5+s2], $0x80, v3, vm0, $0xb8;
	[tilespmem:$0x12080] =	vst v63  }
0x67: {  	_ = 	snop  }
0x68: {  	[tilespmem:s16], [sflag:$0x1] =	stream.indirect_vreg.gather [hbm4b:s6+s2], $0x80, v3, vm0, $0xb8;
	[tilespmem:$0x12080] =	vst v63  }
0x69: {  	v3 =	vld [tilespmem:$0x30];
	_ =	sdelay $0x4  }
0x6a: {  	v63 =	vshll.u32 v3, $0x3  }
0x6b: {  	v3 =	vand.u32 $0x7, v3;
	v4 =	vand.u32 $0xFFFFFFC0, v63  }
0x6c: {  	v3 =	vor.u32 v3, v4  }
0x6d: {  	v4 =	vperm.xlane v3, v0;
	_ =	sdelay $0x1  }
0x6e: {  	v4 =	vadd.s32 v1, v4;
	_ =	sdelay $0x4  }
0x6f: {  	[tilespmem:s17], [sflag:$0x1] =	stream.indirect_vreg.gather [hbm4b:s3+s2], $0x80, v4, vm0, $0xb8;
	[tilespmem:$0x12080] =	vst v63  }
0x70: {  	v3 =	vperm.xlane v3, v2  }
0x71: {  	[tilespmem:s18], [sflag:$0x1] =	stream.indirect_vreg.gather [hbm4b:s4+s2], $0x80, v4, vm0, $0xb8;
	[tilespmem:$0x12080] =	vst v63  }
0x72: {  	v3 =	vadd.s32 v1, v3  }
0x73: {  	[tilespmem:s19], [sflag:$0x1] =	stream.indirect_vreg.gather [hbm4b:s5+s2], $0x80, v4, vm0, $0xb8;
	[tilespmem:$0x12080] =	vst v63  }
0x74: {  	_ = 	snop  }
0x75: {  	[tilespmem:s20], [sflag:$0x1] =	stream.indirect_vreg.gather [hbm4b:s6+s2], $0x80, v4, vm0, $0xb8;
	[tilespmem:$0x12080] =	vst v63  }
0x76: {  	_ = 	snop  }
0x77: {  	[tilespmem:s21], [sflag:$0x1] =	stream.indirect_vreg.gather [hbm4b:s3+s2], $0x80, v3, vm0, $0xb8;
	[tilespmem:$0x12080] =	vst v63  }
0x78: {  	_ = 	snop  }
0x79: {  	[tilespmem:s22], [sflag:$0x1] =	stream.indirect_vreg.gather [hbm4b:s4+s2], $0x80, v3, vm0, $0xb8;
	[tilespmem:$0x12080] =	vst v63  }
0x7a: {  	_ = 	snop  }
0x7b: {  	[tilespmem:s23], [sflag:$0x1] =	stream.indirect_vreg.gather [hbm4b:s5+s2], $0x80, v3, vm0, $0xb8;
	[tilespmem:$0x12080] =	vst v63  }
0x7c: {  	_ = 	snop  }
0x7d: {  	[tilespmem:s24], [sflag:$0x1] =	stream.indirect_vreg.gather [hbm4b:s6+s2], $0x80, v3, vm0, $0xb8;
	[tilespmem:$0x12080] =	vst v63  }
0x7e: {  	s7 =	rddreg [dreg:$0x3]  }
0x7f: {  	[tilespmem:s26], [sflag:$0x2] =	stream.indirect.gather [hbm4b:s7+s25], $0x80, s2, s25, $0xb8;
	[tilespmem:$0x12080] =	vst v63  }
0x80: {  	_ =	swait.ge [sflag:s28], $0x10000  }
0x81: {  	[sflag:s28] =	ssyncset.done $0x0  }
0x82: {  	[sflag:s28] =	ssyncadd.s32 $0xFFFF0000  }
0x83: {  	_ =	swait.ge [sflag:s29], $0x2000  }
0x84: {  	[sflag:s29] =	ssyncset.done $0x0  }
0x85: {  	[sflag:s29] =	ssyncadd.s32 $0xFFFFE000  }
0x86: {  	[hbm4b:s31+s2] =	stream.linear.scatter [tilespmem:s11], [sflag:$0x3], $0x10000, $0x38;
	[tilespmem:$0x12080] =	vst v63  }
0x87: {  	_ =	swait.ge [sflag:s10], $0x10000  }
0x88: {  	p0 =	sne.s32 s1, $0x38;
	[sflag:s10] =	ssyncset.done $0x0  }
.Ltmp0:
0x89: {  	[sflag:s10] =	ssyncadd.s32 $0xFFFF0000;
	(pc) =	sbr.rel @p0 .LBB2_2-.Ltmp0, $4  }
0x8a: {  	[hbm4b:s8+s2] =	stream.linear.scatter [tilespmem:s26], [sflag:$0x3], $0x2000, $0x38;
	[tilespmem:$0x12080] =	vst v63  }
0x8b: {  	_ =	swait.ge [sflag:s10], $0x2000  }
0x8c: {  	s1 =	sadd.s32 $0x8, s1;
	[sflag:s10] =	ssyncset.done $0x0  }
0x8d: {  	s31 =	sadd.s32 $0x2000, s31;
	s8 =	sadd.s32 $0x400, s8;
	[sflag:s10] =	ssyncadd.s32 $0xFFFFE000  }
0x8e: {  	s30 =	sadd.s32 $0x1, s30;
	s0 =	rddreg [dreg:$0x17]  }
0x8f: {  	p0 =	sne.s32 s30, s0  }
.Ltmp1:
0x90: {  	_ = 	snop;
	(pc) =	sbr.rel @p0 .LBB2_1-.Ltmp1, $1  }
0x91: {  	_ =	sdelay $0x3  }
0x92: {  	_ =	sfence.sel $0x180000  }
0x93: {  	[bflag:$0x0] =	sbarrier.arrive $0xFFFF  }
0x94: {  	_ =	strace $0x90000047  }
0x95: {  	s0 =	stileid.u32;
	[bflag:$0x2] =	sbarrier.arrive $0xFFFF  }
0x96: {  	p0 =	sne.s32 s0, $0x0;
	s0 =	rddreg [dreg:$0x2]  }
0x97: {  	s0 =	sadd.s32 @!p0 $0x100000, s0  }
0x98: {  	[sflag:s0] =	ssyncadd.tile.s32 @!p0 $0x1;
	_ =	shalt  }
.Lfunc_end2:
_tile_overlayer_lowered:
.L_overlay_start_2:
0x99: {  	(tag) =	ssettag $0x2  }
0x9a: {  	s0 =	rddreg [dreg:$0x0];
	s2 =	stileid.u32  }
0x9b: {  	s1 =	rddreg [dreg:$0x1];
	p0 =	sne.s32 s2, $0x0  }
0x9c: {  	s3 =	rddreg [dreg:$0x2];
	[bflag:$0x3] =	sbarrier.arrive $0xFFFF;
	s2 =	simm.s32 @!p0 $0x1C03  }
0x9d: {  	[timem:s3], [sflag:s2] =	dma.local @!p0 [hbm:s0], s1  }
0x9e: {  	s0 =	simm.s32 @!p0 $0x3  }
0x9f: {  	_ =	swait.ge @!p0 [sflag:s0], s1  }
0xa0: {  	s1 =	ssub.s32 @!p0 $0x0, s1;
	[sflag:s0] =	ssyncset.done @!p0 $0x0  }
0xa1: {  	[sflag:s0] =	ssyncadd.s32 @!p0 s1  }
0xa2: {  	[bflag:$0x3] =	sbarrier.arrive $0xFFFF  }
0xa3: {  	_ =	shalt  }

</sc_bundles>
